<compile_context>
chip_gen: v7x
topology: tpu7x:2x2x1
jax: 0.10.2.dev20260603
libtpu: 0.0.44.dev20260713+nightly
codegen_flags: <defaults>
</compile_context>

<pallas_src>
import functools

import jax
import jax.numpy as jnp
from jax import lax
from jax.experimental import pallas as pl
from jax.experimental.pallas import tpu as pltpu
from jax.experimental.pallas import tpu_sc as plsc

VOCAB = 120
EMBED_DIM = 200
LANE = 128
WIDE = 2 * LANE
NBUF = 4


def _sc_gather_full(idx3, table_w, n_rows, chunk):
    info = plsc.get_sparse_core_info()
    NC = info.num_cores
    rows_per_w = idx3.shape[1]
    mesh = plsc.VectorSubcoreMesh(core_axis_name="c", subcore_axis_name="s")

    @functools.partial(
        pl.kernel,
        mesh=mesh,
        out_type=jax.ShapeDtypeStruct((n_rows, chunk, WIDE), jnp.float32),
        scratch_types=[
            pltpu.VMEM((rows_per_w, idx3.shape[2]), jnp.int32),
            pltpu.VMEM_SHARED((VOCAB, LANE), jnp.float32),
            pltpu.VMEM_SHARED((VOCAB, LANE), jnp.float32),
            [pltpu.VMEM((idx3.shape[2], LANE), jnp.float32)] * NBUF,
            [pltpu.VMEM((idx3.shape[2], LANE), jnp.float32)] * NBUF,
            [pltpu.SemaphoreType.DMA] * NBUF,
            [pltpu.SemaphoreType.DMA] * NBUF,
            [pltpu.SemaphoreType.DMA] * NBUF,
            [pltpu.SemaphoreType.DMA] * NBUF,
        ],
    )
    def k(
        idx_hbm,
        table_hbm,
        out_hbm,
        idx_v,
        tbl_a,
        tbl_b,
        rows_a,
        rows_b,
        gsem_a,
        gsem_b,
        wsem_a,
        wsem_b,
    ):
        sid = lax.axis_index("s")
        wid = sid * NC + lax.axis_index("c")
        base = wid * rows_per_w

        @pl.when(sid == 0)
        def _():
            pltpu.sync_copy(table_hbm.at[:, pl.ds(0, LANE)], tbl_a)

        @pl.when(sid == 1)
        def _():
            pltpu.sync_copy(table_hbm.at[:, pl.ds(LANE, LANE)], tbl_b)

        pltpu.sync_copy(idx_hbm.at[wid], idx_v)
        plsc.subcore_barrier()

        for p in range(2):
            pltpu.async_copy(tbl_a.at[idx_v.at[p]], rows_a[p], gsem_a[p])
            pltpu.async_copy(tbl_b.at[idx_v.at[p]], rows_b[p], gsem_b[p])

        def body(i, carry):
            for s in range(NBUF):
                j = NBUF * i + s
                n = (s + 2) % NBUF

                @pl.when(j + 2 < rows_per_w)
                def _():
                    @pl.when(j >= 2)
                    def _():
                        pltpu.make_async_copy(
                            rows_a[n],
                            out_hbm.at[0].at[:, pl.ds(0, LANE)],
                            wsem_a[n],
                        ).wait()
                        pltpu.make_async_copy(
                            rows_b[n],
                            out_hbm.at[0].at[:, pl.ds(LANE, LANE)],
                            wsem_b[n],
                        ).wait()

                    pltpu.async_copy(
                        tbl_a.at[idx_v.at[j + 2]], rows_a[n], gsem_a[n]
                    )
                    pltpu.async_copy(
                        tbl_b.at[idx_v.at[j + 2]], rows_b[n], gsem_b[n]
                    )

                pltpu.make_async_copy(
                    tbl_a.at[idx_v.at[j]], rows_a[s], gsem_a[s]
                ).wait()
                pltpu.async_copy(
                    rows_a[s],
                    out_hbm.at[base + j].at[:, pl.ds(0, LANE)],
                    wsem_a[s],
                )
                pltpu.make_async_copy(
                    tbl_b.at[idx_v.at[j]], rows_b[s], gsem_b[s]
                ).wait()
                pltpu.async_copy(
                    rows_b[s],
                    out_hbm.at[base + j].at[:, pl.ds(LANE, LANE)],
                    wsem_b[s],
                )
            return carry

        lax.fori_loop(0, rows_per_w // NBUF, body, 0, unroll=False)
        for s in range(NBUF):
            pltpu.make_async_copy(
                rows_a[s], out_hbm.at[0].at[:, pl.ds(0, LANE)], wsem_a[s]
            ).wait()
            pltpu.make_async_copy(
                rows_b[s], out_hbm.at[0].at[:, pl.ds(LANE, LANE)], wsem_b[s]
            ).wait()

    return k(idx3, table_w)


def kernel(x, atom_fea):
    n_rows, chunk = x.shape
    info = plsc.get_sparse_core_info()
    NW = info.num_cores * info.num_subcores
    xi = x.astype(jnp.int32)
    idx3 = xi.reshape(NW, n_rows // NW, chunk)
    table_w = jnp.zeros((VOCAB, WIDE), jnp.float32)
    table_w = lax.dynamic_update_slice(table_w, atom_fea, (0, 0))
    out_w = _sc_gather_full(idx3, table_w, n_rows, chunk)
    return out_w[:, :, :EMBED_DIM]

# --- scband reference (transcript-rebuilt; emitter-appended) ---
"""Pipeline reference for scband-atom-featurizer-45337674776592 (READ-ONLY COPY).

The authoritative reference and input builder live on the scoring server;
editing this copy changes nothing except your own understanding.
"""

import jax, jax.numpy as jnp
import numpy as np

VOCAB = 120  # zeros row + 118 mat2vec element rows + ones row
EMBED_DIM = 200

def setup_inputs(seed: int = 0) -> dict:
    key = jax.random.key(seed)
    k1, k2 = jax.random.split(key)
    # Emulate the mat2vec table: random middle rows, zeros first row, ones last row
    mid = jax.random.normal(k1, (VOCAB - 2, EMBED_DIM), dtype=jnp.float32)
    atom_fea = jnp.vstack([jnp.zeros((1, EMBED_DIM), dtype=jnp.float32), mid, jnp.ones((1, EMBED_DIM), dtype=jnp.float32)])
    x = jax.random.randint(k2, (4096, 100), 0, VOCAB, dtype=jnp.int64)
    return {"x": x, "atom_fea": atom_fea}

def reference(x, atom_fea):
    # torch: torch.squeeze(self.atom_fea[x.long()])
    out = jnp.take(atom_fea, x.astype(jnp.int64), axis=0)
    return jnp.squeeze(out)

if __name__ == "__main__":
    import jax
    _d = setup_inputs()
    print(jax.jit(kernel)(*tuple(_d.values())))

</pallas_src>

<mosaic_0001>
#map = affine_map<(d0, d1) -> (0, 0, 0)>
#map1 = affine_map<(d0, d1) -> (0, 0)>
module attributes {stable_mosaic.version = 14 : i64} {
  func.func @k(%arg0: i32, %arg1: i32, %arg2: memref<32x128x100xi32, #tpu.memory_space<hbm>>, %arg3: memref<120x256xf32, #tpu.memory_space<hbm>>, %arg4: memref<4096x100x256xf32, #tpu.memory_space<hbm>>, %arg5: memref<128x100xi32, #tpu.memory_space<vmem>>, %arg6: memref<120x128xf32, #tpu.memory_space<vmem_shared>>, %arg7: memref<120x128xf32, #tpu.memory_space<vmem_shared>>, %arg8: memref<100x128xf32, #tpu.memory_space<vmem>>, %arg9: memref<100x128xf32, #tpu.memory_space<vmem>>, %arg10: memref<100x128xf32, #tpu.memory_space<vmem>>, %arg11: memref<100x128xf32, #tpu.memory_space<vmem>>, %arg12: memref<100x128xf32, #tpu.memory_space<vmem>>, %arg13: memref<100x128xf32, #tpu.memory_space<vmem>>, %arg14: memref<100x128xf32, #tpu.memory_space<vmem>>, %arg15: memref<100x128xf32, #tpu.memory_space<vmem>>, %arg16: memref<!tpu.dma_semaphore, #tpu.memory_space<semaphore_mem>>, %arg17: memref<!tpu.dma_semaphore, #tpu.memory_space<semaphore_mem>>, %arg18: memref<!tpu.dma_semaphore, #tpu.memory_space<semaphore_mem>>, %arg19: memref<!tpu.dma_semaphore, #tpu.memory_space<semaphore_mem>>, %arg20: memref<!tpu.dma_semaphore, #tpu.memory_space<semaphore_mem>>, %arg21: memref<!tpu.dma_semaphore, #tpu.memory_space<semaphore_mem>>, %arg22: memref<!tpu.dma_semaphore, #tpu.memory_space<semaphore_mem>>, %arg23: memref<!tpu.dma_semaphore, #tpu.memory_space<semaphore_mem>>, %arg24: memref<!tpu.dma_semaphore, #tpu.memory_space<semaphore_mem>>, %arg25: memref<!tpu.dma_semaphore, #tpu.memory_space<semaphore_mem>>, %arg26: memref<!tpu.dma_semaphore, #tpu.memory_space<semaphore_mem>>, %arg27: memref<!tpu.dma_semaphore, #tpu.memory_space<semaphore_mem>>, %arg28: memref<!tpu.dma_semaphore, #tpu.memory_space<semaphore_mem>>, %arg29: memref<!tpu.dma_semaphore, #tpu.memory_space<semaphore_mem>>, %arg30: memref<!tpu.dma_semaphore, #tpu.memory_space<semaphore_mem>>, %arg31: memref<!tpu.dma_semaphore, #tpu.memory_space<semaphore_mem>>) attributes {dimension_semantics = [#tpu.dimension_semantics<core_parallel>, #tpu.dimension_semantics<subcore_parallel>], iteration_bounds = array<i64: 2, 16>, scalar_prefetch = 0 : i64, scratch_operands = 27 : i64, tpu.core_type = #tpu.core_type<sc_vector_subcore>, window_params = [{transform_indices = #map}, {transform_indices = #map1}, {transform_indices = #map}]} {
    %mul3A = arith.constant 2 : i32
    %mul3A_0 = arith.muli %arg1, %mul3A : i32
    %add3A = arith.addi %mul3A_0, %arg0 : i32
    %mul3A_1 = arith.constant 128 : i32
    %mul3A_2 = arith.muli %add3A, %mul3A_1 : i32
    %eq3A = arith.constant 0 : i32
    %eq3A_3 = arith.cmpi eq, %arg1, %eq3A : i32
    %convert_element_type3A = arith.extui %eq3A_3 : i1 to i32
    %cond3A = arith.constant 0 : i32
    %cond3A_4 = arith.cmpi ne, %convert_element_type3A, %cond3A : i32
    scf.if %cond3A_4 {
      "tpu.region"() ({
        %run_scoped3A = tpu.sem_alloc : memref<!tpu.dma_semaphore, #tpu.memory_space<semaphore_mem>>
        %dma_start3A_161 = arith.constant 0 : i32
        %dma_start3A_162 = arith.constant 0 : i32
        %dma_start3A_163 = tpu.memref_slice %arg3[%dma_start3A_161, %dma_start3A_162] : memref<120x256xf32, #tpu.memory_space<hbm>> -> memref<120x128xf32, #tpu.memory_space<hbm>>
        tpu.enqueue_dma source(%dma_start3A_163 : memref<120x128xf32, #tpu.memory_space<hbm>>) target(%arg6 : memref<120x128xf32, #tpu.memory_space<vmem_shared>>) target_semaphore(%run_scoped3A : memref<!tpu.dma_semaphore, #tpu.memory_space<semaphore_mem>>)
        %dma_wait3A_164 = arith.constant 0 : i32
        %dma_wait3A_165 = arith.constant 0 : i32
        %dma_wait3A_166 = tpu.memref_slice %arg3[%dma_wait3A_164, %dma_wait3A_165] : memref<120x256xf32, #tpu.memory_space<hbm>> -> memref<120x128xf32, #tpu.memory_space<hbm>>
        tpu.wait_dma2 semaphore(%run_scoped3A : memref<!tpu.dma_semaphore, #tpu.memory_space<semaphore_mem>>) src(%dma_wait3A_166 : memref<120x128xf32, #tpu.memory_space<hbm>>) dst(%arg6 : memref<120x128xf32, #tpu.memory_space<vmem_shared>>)
        tpu.yield
      }) : () -> ()
    } else {
    }
    %eq3A_5 = arith.constant 1 : i32
    %eq3A_6 = arith.cmpi eq, %arg1, %eq3A_5 : i32
    %convert_element_type3A_7 = arith.extui %eq3A_6 : i1 to i32
    %cond3A_8 = arith.constant 0 : i32
    %cond3A_9 = arith.cmpi ne, %convert_element_type3A_7, %cond3A_8 : i32
    scf.if %cond3A_9 {
      "tpu.region"() ({
        %run_scoped3A = tpu.sem_alloc : memref<!tpu.dma_semaphore, #tpu.memory_space<semaphore_mem>>
        %dma_start3A_161 = arith.constant 0 : i32
        %dma_start3A_162 = arith.constant 128 : i32
        %dma_start3A_163 = tpu.memref_slice %arg3[%dma_start3A_161, %dma_start3A_162] : memref<120x256xf32, #tpu.memory_space<hbm>> -> memref<120x128xf32, #tpu.memory_space<hbm>>
        tpu.enqueue_dma source(%dma_start3A_163 : memref<120x128xf32, #tpu.memory_space<hbm>>) target(%arg7 : memref<120x128xf32, #tpu.memory_space<vmem_shared>>) target_semaphore(%run_scoped3A : memref<!tpu.dma_semaphore, #tpu.memory_space<semaphore_mem>>)
        %dma_wait3A_164 = arith.constant 0 : i32
        %dma_wait3A_165 = arith.constant 128 : i32
        %dma_wait3A_166 = tpu.memref_slice %arg3[%dma_wait3A_164, %dma_wait3A_165] : memref<120x256xf32, #tpu.memory_space<hbm>> -> memref<120x128xf32, #tpu.memory_space<hbm>>
        tpu.wait_dma2 semaphore(%run_scoped3A : memref<!tpu.dma_semaphore, #tpu.memory_space<semaphore_mem>>) src(%dma_wait3A_166 : memref<120x128xf32, #tpu.memory_space<hbm>>) dst(%arg7 : memref<120x128xf32, #tpu.memory_space<vmem_shared>>)
        tpu.yield
      }) : () -> ()
    } else {
    }
    "tpu.region"() ({
      %run_scoped3A = tpu.sem_alloc : memref<!tpu.dma_semaphore, #tpu.memory_space<semaphore_mem>>
      %dma_start3A_161 = arith.constant 0 : i32
      %dma_start3A_162 = arith.constant 0 : i32
      %dma_start3A_163 = tpu.memref_slice %arg2[%add3A, %dma_start3A_161, %dma_start3A_162] : memref<32x128x100xi32, #tpu.memory_space<hbm>> -> memref<1x128x100xi32, #tpu.memory_space<hbm>>
      %dma_start3A_164 = tpu.memref_squeeze %dma_start3A_163 : memref<1x128x100xi32, #tpu.memory_space<hbm>> -> memref<128x100xi32, #tpu.memory_space<hbm>>
      %dma_start3A_165 = arith.constant 0 : i32
      %dma_start3A_166 = arith.constant 0 : i32
      %dma_start3A_167 = tpu.memref_slice %arg2[%add3A, %dma_start3A_165, %dma_start3A_166] : memref<32x128x100xi32, #tpu.memory_space<hbm>> -> memref<1x128x100xi32, #tpu.memory_space<hbm>>
      %dma_start3A_168 = tpu.memref_squeeze %dma_start3A_167 : memref<1x128x100xi32, #tpu.memory_space<hbm>> -> memref<128x100xi32, #tpu.memory_space<hbm>>
      tpu.enqueue_dma source(%dma_start3A_168 : memref<128x100xi32, #tpu.memory_space<hbm>>) target(%arg5 : memref<128x100xi32, #tpu.memory_space<vmem>>) target_semaphore(%run_scoped3A : memref<!tpu.dma_semaphore, #tpu.memory_space<semaphore_mem>>)
      %dma_wait3A_169 = arith.constant 0 : i32
      %dma_wait3A_170 = arith.constant 0 : i32
      %dma_wait3A_171 = tpu.memref_slice %arg2[%add3A, %dma_wait3A_169, %dma_wait3A_170] : memref<32x128x100xi32, #tpu.memory_space<hbm>> -> memref<1x128x100xi32, #tpu.memory_space<hbm>>
      %dma_wait3A_172 = tpu.memref_squeeze %dma_wait3A_171 : memref<1x128x100xi32, #tpu.memory_space<hbm>> -> memref<128x100xi32, #tpu.memory_space<hbm>>
      %dma_wait3A_173 = arith.constant 0 : i32
      %dma_wait3A_174 = arith.constant 0 : i32
      %dma_wait3A_175 = tpu.memref_slice %arg2[%add3A, %dma_wait3A_173, %dma_wait3A_174] : memref<32x128x100xi32, #tpu.memory_space<hbm>> -> memref<1x128x100xi32, #tpu.memory_space<hbm>>
      %dma_wait3A_176 = tpu.memref_squeeze %dma_wait3A_175 : memref<1x128x100xi32, #tpu.memory_space<hbm>> -> memref<128x100xi32, #tpu.memory_space<hbm>>
      tpu.wait_dma2 semaphore(%run_scoped3A : memref<!tpu.dma_semaphore, #tpu.memory_space<semaphore_mem>>) src(%dma_wait3A_176 : memref<128x100xi32, #tpu.memory_space<hbm>>) dst(%arg5 : memref<128x100xi32, #tpu.memory_space<vmem>>)
      tpu.yield
    }) : () -> ()
    %barrier3A = arith.constant 0 : index
    tpu.barrier barrier_id(%barrier3A)
    %dma_start3A = arith.constant 0 : i32
    %dma_start3A_10 = arith.constant 0 : i32
    %dma_start3A_11 = tpu.memref_slice %arg5[%dma_start3A, %dma_start3A_10] : memref<128x100xi32, #tpu.memory_space<vmem>> -> memref<1x100xi32, #tpu.memory_space<vmem>>
    %dma_start3A_12 = tpu.memref_squeeze %dma_start3A_11 : memref<1x100xi32, #tpu.memory_space<vmem>> -> memref<100xi32, #tpu.memory_space<vmem>>
    %dma_start3A_13 = arith.constant 0 : i32
    %dma_start3A_14 = arith.constant 0 : i32
    %dma_start3A_15 = tpu.memref_slice %arg6[%dma_start3A_13, %dma_start3A_14] : memref<120x128xf32, #tpu.memory_space<vmem_shared>> -> memref<120x128xf32, #tpu.memory_space<vmem_shared>>
    tpu.enqueue_indirect_dma source(%dma_start3A_15 : memref<120x128xf32, #tpu.memory_space<vmem_shared>>) target(%arg8 : memref<100x128xf32, #tpu.memory_space<vmem>>) offsets(%dma_start3A_12 : memref<100xi32, #tpu.memory_space<vmem>>) semaphore(%arg16 : memref<!tpu.dma_semaphore, #tpu.memory_space<semaphore_mem>>)
    %dma_start3A_16 = arith.constant 0 : i32
    %dma_start3A_17 = arith.constant 0 : i32
    %dma_start3A_18 = tpu.memref_slice %arg5[%dma_start3A_16, %dma_start3A_17] : memref<128x100xi32, #tpu.memory_space<vmem>> -> memref<1x100xi32, #tpu.memory_space<vmem>>
    %dma_start3A_19 = tpu.memref_squeeze %dma_start3A_18 : memref<1x100xi32, #tpu.memory_space<vmem>> -> memref<100xi32, #tpu.memory_space<vmem>>
    %dma_start3A_20 = arith.constant 0 : i32
    %dma_start3A_21 = arith.constant 0 : i32
    %dma_start3A_22 = tpu.memref_slice %arg7[%dma_start3A_20, %dma_start3A_21] : memref<120x128xf32, #tpu.memory_space<vmem_shared>> -> memref<120x128xf32, #tpu.memory_space<vmem_shared>>
    tpu.enqueue_indirect_dma source(%dma_start3A_22 : memref<120x128xf32, #tpu.memory_space<vmem_shared>>) target(%arg12 : memref<100x128xf32, #tpu.memory_space<vmem>>) offsets(%dma_start3A_19 : memref<100xi32, #tpu.memory_space<vmem>>) semaphore(%arg20 : memref<!tpu.dma_semaphore, #tpu.memory_space<semaphore_mem>>)
    %dma_start3A_23 = arith.constant 1 : i32
    %dma_start3A_24 = arith.constant 0 : i32
    %dma_start3A_25 = tpu.memref_slice %arg5[%dma_start3A_23, %dma_start3A_24] : memref<128x100xi32, #tpu.memory_space<vmem>> -> memref<1x100xi32, #tpu.memory_space<vmem>>
    %dma_start3A_26 = tpu.memref_squeeze %dma_start3A_25 : memref<1x100xi32, #tpu.memory_space<vmem>> -> memref<100xi32, #tpu.memory_space<vmem>>
    %dma_start3A_27 = arith.constant 0 : i32
    %dma_start3A_28 = arith.constant 0 : i32
    %dma_start3A_29 = tpu.memref_slice %arg6[%dma_start3A_27, %dma_start3A_28] : memref<120x128xf32, #tpu.memory_space<vmem_shared>> -> memref<120x128xf32, #tpu.memory_space<vmem_shared>>
    tpu.enqueue_indirect_dma source(%dma_start3A_29 : memref<120x128xf32, #tpu.memory_space<vmem_shared>>) target(%arg9 : memref<100x128xf32, #tpu.memory_space<vmem>>) offsets(%dma_start3A_26 : memref<100xi32, #tpu.memory_space<vmem>>) semaphore(%arg17 : memref<!tpu.dma_semaphore, #tpu.memory_space<semaphore_mem>>)
    %dma_start3A_30 = arith.constant 1 : i32
    %dma_start3A_31 = arith.constant 0 : i32
    %dma_start3A_32 = tpu.memref_slice %arg5[%dma_start3A_30, %dma_start3A_31] : memref<128x100xi32, #tpu.memory_space<vmem>> -> memref<1x100xi32, #tpu.memory_space<vmem>>
    %dma_start3A_33 = tpu.memref_squeeze %dma_start3A_32 : memref<1x100xi32, #tpu.memory_space<vmem>> -> memref<100xi32, #tpu.memory_space<vmem>>
    %dma_start3A_34 = arith.constant 0 : i32
    %dma_start3A_35 = arith.constant 0 : i32
    %dma_start3A_36 = tpu.memref_slice %arg7[%dma_start3A_34, %dma_start3A_35] : memref<120x128xf32, #tpu.memory_space<vmem_shared>> -> memref<120x128xf32, #tpu.memory_space<vmem_shared>>
    tpu.enqueue_indirect_dma source(%dma_start3A_36 : memref<120x128xf32, #tpu.memory_space<vmem_shared>>) target(%arg13 : memref<100x128xf32, #tpu.memory_space<vmem>>) offsets(%dma_start3A_33 : memref<100xi32, #tpu.memory_space<vmem>>) semaphore(%arg21 : memref<!tpu.dma_semaphore, #tpu.memory_space<semaphore_mem>>)
    %scan3A = arith.constant 0 : i32
    %scan3A_37 = arith.constant 0 : i32
    %scan3A_38 = arith.constant 32 : i32
    %scan3A_39 = arith.addi %scan3A_37, %scan3A_38 : i32
    %scan3A_40 = arith.constant 1 : i32
    scf.for %scan3A_161 = %scan3A_37 to %scan3A_39 step %scan3A_40  : i32 {
      %mul3A_162 = arith.constant 4 : i32
      %mul3A_163 = arith.muli %mul3A_162, %scan3A_161 : i32
      %add3A_164 = arith.constant 0 : i32
      %add3A_165 = arith.addi %mul3A_163, %add3A_164 : i32
      %add3A_166 = arith.constant 2 : i32
      %add3A_167 = arith.addi %add3A_165, %add3A_166 : i32
      %lt3A = arith.constant 128 : i32
      %lt3A_168 = arith.cmpi slt, %add3A_167, %lt3A : i32
      %convert_element_type3A_169 = arith.extui %lt3A_168 : i1 to i32
      %cond3A_170 = arith.constant 0 : i32
      %cond3A_171 = arith.cmpi ne, %convert_element_type3A_169, %cond3A_170 : i32
      scf.if %cond3A_171 {
        %ge3A = arith.constant 2 : i32
        %ge3A_373 = arith.cmpi sge, %add3A_165, %ge3A : i32
        %convert_element_type3A_374 = arith.extui %ge3A_373 : i1 to i32
        %cond3A_375 = arith.constant 0 : i32
        %cond3A_376 = arith.cmpi ne, %convert_element_type3A_374, %cond3A_375 : i32
        scf.if %cond3A_376 {
          %dma_wait3A_393 = arith.constant 0 : i32
          %dma_wait3A_394 = arith.constant 0 : i32
          %dma_wait3A_395 = arith.constant 0 : i32
          %dma_wait3A_396 = tpu.memref_slice %arg4[%dma_wait3A_393, %dma_wait3A_394, %dma_wait3A_395] : memref<4096x100x256xf32, #tpu.memory_space<hbm>> -> memref<1x100x256xf32, #tpu.memory_space<hbm>>
          %dma_wait3A_397 = tpu.memref_squeeze %dma_wait3A_396 : memref<1x100x256xf32, #tpu.memory_space<hbm>> -> memref<100x256xf32, #tpu.memory_space<hbm>>
          %dma_wait3A_398 = arith.constant 0 : i32
          %dma_wait3A_399 = arith.constant 0 : i32
          %dma_wait3A_400 = tpu.memref_slice %dma_wait3A_397[%dma_wait3A_398, %dma_wait3A_399] : memref<100x256xf32, #tpu.memory_space<hbm>> -> memref<100x128xf32, #tpu.memory_space<hbm>>
          %dma_wait3A_401 = arith.constant 0 : i32
          %dma_wait3A_402 = arith.constant 0 : i32
          %dma_wait3A_403 = tpu.memref_slice %arg4[%dma_wait3A_393, %dma_wait3A_401, %dma_wait3A_402] : memref<4096x100x256xf32, #tpu.memory_space<hbm>> -> memref<1x100x256xf32, #tpu.memory_space<hbm>>
          %dma_wait3A_404 = tpu.memref_squeeze %dma_wait3A_403 : memref<1x100x256xf32, #tpu.memory_space<hbm>> -> memref<100x256xf32, #tpu.memory_space<hbm>>
          %dma_wait3A_405 = arith.constant 0 : i32
          %dma_wait3A_406 = arith.constant 0 : i32
          %dma_wait3A_407 = tpu.memref_slice %dma_wait3A_404[%dma_wait3A_405, %dma_wait3A_406] : memref<100x256xf32, #tpu.memory_space<hbm>> -> memref<100x128xf32, #tpu.memory_space<hbm>>
          tpu.wait_dma2 semaphore(%arg26 : memref<!tpu.dma_semaphore, #tpu.memory_space<semaphore_mem>>) src(%arg10 : memref<100x128xf32, #tpu.memory_space<vmem>>) dst(%dma_wait3A_407 : memref<100x128xf32, #tpu.memory_space<hbm>>)
          %dma_wait3A_408 = arith.constant 0 : i32
          %dma_wait3A_409 = arith.constant 0 : i32
          %dma_wait3A_410 = arith.constant 0 : i32
          %dma_wait3A_411 = tpu.memref_slice %arg4[%dma_wait3A_408, %dma_wait3A_409, %dma_wait3A_410] : memref<4096x100x256xf32, #tpu.memory_space<hbm>> -> memref<1x100x256xf32, #tpu.memory_space<hbm>>
          %dma_wait3A_412 = tpu.memref_squeeze %dma_wait3A_411 : memref<1x100x256xf32, #tpu.memory_space<hbm>> -> memref<100x256xf32, #tpu.memory_space<hbm>>
          %dma_wait3A_413 = arith.constant 0 : i32
          %dma_wait3A_414 = arith.constant 128 : i32
          %dma_wait3A_415 = tpu.memref_slice %dma_wait3A_412[%dma_wait3A_413, %dma_wait3A_414] : memref<100x256xf32, #tpu.memory_space<hbm>> -> memref<100x128xf32, #tpu.memory_space<hbm>>
          %dma_wait3A_416 = arith.constant 0 : i32
          %dma_wait3A_417 = arith.constant 0 : i32
          %dma_wait3A_418 = tpu.memref_slice %arg4[%dma_wait3A_408, %dma_wait3A_416, %dma_wait3A_417] : memref<4096x100x256xf32, #tpu.memory_space<hbm>> -> memref<1x100x256xf32, #tpu.memory_space<hbm>>
          %dma_wait3A_419 = tpu.memref_squeeze %dma_wait3A_418 : memref<1x100x256xf32, #tpu.memory_space<hbm>> -> memref<100x256xf32, #tpu.memory_space<hbm>>
          %dma_wait3A_420 = arith.constant 0 : i32
          %dma_wait3A_421 = arith.constant 128 : i32
          %dma_wait3A_422 = tpu.memref_slice %dma_wait3A_419[%dma_wait3A_420, %dma_wait3A_421] : memref<100x256xf32, #tpu.memory_space<hbm>> -> memref<100x128xf32, #tpu.memory_space<hbm>>
          tpu.wait_dma2 semaphore(%arg30 : memref<!tpu.dma_semaphore, #tpu.memory_space<semaphore_mem>>) src(%arg14 : memref<100x128xf32, #tpu.memory_space<vmem>>) dst(%dma_wait3A_422 : memref<100x128xf32, #tpu.memory_space<hbm>>)
        } else {
        }
        %add3A_377 = arith.constant 2 : i32
        %add3A_378 = arith.addi %add3A_165, %add3A_377 : i32
        %dma_start3A_379 = arith.constant 0 : i32
        %dma_start3A_380 = tpu.memref_slice %arg5[%add3A_378, %dma_start3A_379] : memref<128x100xi32, #tpu.memory_space<vmem>> -> memref<1x100xi32, #tpu.memory_space<vmem>>
        %dma_start3A_381 = tpu.memref_squeeze %dma_start3A_380 : memref<1x100xi32, #tpu.memory_space<vmem>> -> memref<100xi32, #tpu.memory_space<vmem>>
        %dma_start3A_382 = arith.constant 0 : i32
        %dma_start3A_383 = arith.constant 0 : i32
        %dma_start3A_384 = tpu.memref_slice %arg6[%dma_start3A_382, %dma_start3A_383] : memref<120x128xf32, #tpu.memory_space<vmem_shared>> -> memref<120x128xf32, #tpu.memory_space<vmem_shared>>
        tpu.enqueue_indirect_dma source(%dma_start3A_384 : memref<120x128xf32, #tpu.memory_space<vmem_shared>>) target(%arg10 : memref<100x128xf32, #tpu.memory_space<vmem>>) offsets(%dma_start3A_381 : memref<100xi32, #tpu.memory_space<vmem>>) semaphore(%arg18 : memref<!tpu.dma_semaphore, #tpu.memory_space<semaphore_mem>>)
        %add3A_385 = arith.constant 2 : i32
        %add3A_386 = arith.addi %add3A_165, %add3A_385 : i32
        %dma_start3A_387 = arith.constant 0 : i32
        %dma_start3A_388 = tpu.memref_slice %arg5[%add3A_386, %dma_start3A_387] : memref<128x100xi32, #tpu.memory_space<vmem>> -> memref<1x100xi32, #tpu.memory_space<vmem>>
        %dma_start3A_389 = tpu.memref_squeeze %dma_start3A_388 : memref<1x100xi32, #tpu.memory_space<vmem>> -> memref<100xi32, #tpu.memory_space<vmem>>
        %dma_start3A_390 = arith.constant 0 : i32
        %dma_start3A_391 = arith.constant 0 : i32
        %dma_start3A_392 = tpu.memref_slice %arg7[%dma_start3A_390, %dma_start3A_391] : memref<120x128xf32, #tpu.memory_space<vmem_shared>> -> memref<120x128xf32, #tpu.memory_space<vmem_shared>>
        tpu.enqueue_indirect_dma source(%dma_start3A_392 : memref<120x128xf32, #tpu.memory_space<vmem_shared>>) target(%arg14 : memref<100x128xf32, #tpu.memory_space<vmem>>) offsets(%dma_start3A_389 : memref<100xi32, #tpu.memory_space<vmem>>) semaphore(%arg22 : memref<!tpu.dma_semaphore, #tpu.memory_space<semaphore_mem>>)
      } else {
      }
      %dma_wait3A_172 = arith.constant 0 : i32
      %dma_wait3A_173 = tpu.memref_slice %arg5[%add3A_165, %dma_wait3A_172] : memref<128x100xi32, #tpu.memory_space<vmem>> -> memref<1x100xi32, #tpu.memory_space<vmem>>
      %dma_wait3A_174 = tpu.memref_squeeze %dma_wait3A_173 : memref<1x100xi32, #tpu.memory_space<vmem>> -> memref<100xi32, #tpu.memory_space<vmem>>
      %dma_wait3A_175 = arith.constant 0 : i32
      %dma_wait3A_176 = arith.constant 0 : i32
      %dma_wait3A_177 = tpu.memref_slice %arg6[%dma_wait3A_175, %dma_wait3A_176] : memref<120x128xf32, #tpu.memory_space<vmem_shared>> -> memref<120x128xf32, #tpu.memory_space<vmem_shared>>
      tpu.wait_indirect_dma semaphore(%arg16 : memref<!tpu.dma_semaphore, #tpu.memory_space<semaphore_mem>>) src(%dma_wait3A_177 : memref<120x128xf32, #tpu.memory_space<vmem_shared>>) dst(%arg8 : memref<100x128xf32, #tpu.memory_space<vmem>>)
      %add3A_178 = arith.addi %mul3A_2, %add3A_165 : i32
      %dma_start3A_179 = arith.constant 0 : i32
      %dma_start3A_180 = arith.constant 0 : i32
      %dma_start3A_181 = tpu.memref_slice %arg4[%add3A_178, %dma_start3A_179, %dma_start3A_180] : memref<4096x100x256xf32, #tpu.memory_space<hbm>> -> memref<1x100x256xf32, #tpu.memory_space<hbm>>
      %dma_start3A_182 = tpu.memref_squeeze %dma_start3A_181 : memref<1x100x256xf32, #tpu.memory_space<hbm>> -> memref<100x256xf32, #tpu.memory_space<hbm>>
      %dma_start3A_183 = arith.constant 0 : i32
      %dma_start3A_184 = arith.constant 0 : i32
      %dma_start3A_185 = tpu.memref_slice %dma_start3A_182[%dma_start3A_183, %dma_start3A_184] : memref<100x256xf32, #tpu.memory_space<hbm>> -> memref<100x128xf32, #tpu.memory_space<hbm>>
      %dma_start3A_186 = arith.constant 0 : i32
      %dma_start3A_187 = arith.constant 0 : i32
      %dma_start3A_188 = tpu.memref_slice %arg4[%add3A_178, %dma_start3A_186, %dma_start3A_187] : memref<4096x100x256xf32, #tpu.memory_space<hbm>> -> memref<1x100x256xf32, #tpu.memory_space<hbm>>
      %dma_start3A_189 = tpu.memref_squeeze %dma_start3A_188 : memref<1x100x256xf32, #tpu.memory_space<hbm>> -> memref<100x256xf32, #tpu.memory_space<hbm>>
      %dma_start3A_190 = arith.constant 0 : i32
      %dma_start3A_191 = arith.constant 0 : i32
      %dma_start3A_192 = tpu.memref_slice %dma_start3A_189[%dma_start3A_190, %dma_start3A_191] : memref<100x256xf32, #tpu.memory_space<hbm>> -> memref<100x128xf32, #tpu.memory_space<hbm>>
      tpu.enqueue_dma source(%arg8 : memref<100x128xf32, #tpu.memory_space<vmem>>) target(%dma_start3A_192 : memref<100x128xf32, #tpu.memory_space<hbm>>) target_semaphore(%arg24 : memref<!tpu.dma_semaphore, #tpu.memory_space<semaphore_mem>>)
      %dma_wait3A_193 = arith.constant 0 : i32
      %dma_wait3A_194 = tpu.memref_slice %arg5[%add3A_165, %dma_wait3A_193] : memref<128x100xi32, #tpu.memory_space<vmem>> -> memref<1x100xi32, #tpu.memory_space<vmem>>
      %dma_wait3A_195 = tpu.memref_squeeze %dma_wait3A_194 : memref<1x100xi32, #tpu.memory_space<vmem>> -> memref<100xi32, #tpu.memory_space<vmem>>
      %dma_wait3A_196 = arith.constant 0 : i32
      %dma_wait3A_197 = arith.constant 0 : i32
      %dma_wait3A_198 = tpu.memref_slice %arg7[%dma_wait3A_196, %dma_wait3A_197] : memref<120x128xf32, #tpu.memory_space<vmem_shared>> -> memref<120x128xf32, #tpu.memory_space<vmem_shared>>
      tpu.wait_indirect_dma semaphore(%arg20 : memref<!tpu.dma_semaphore, #tpu.memory_space<semaphore_mem>>) src(%dma_wait3A_198 : memref<120x128xf32, #tpu.memory_space<vmem_shared>>) dst(%arg12 : memref<100x128xf32, #tpu.memory_space<vmem>>)
      %add3A_199 = arith.addi %mul3A_2, %add3A_165 : i32
      %dma_start3A_200 = arith.constant 0 : i32
      %dma_start3A_201 = arith.constant 0 : i32
      %dma_start3A_202 = tpu.memref_slice %arg4[%add3A_199, %dma_start3A_200, %dma_start3A_201] : memref<4096x100x256xf32, #tpu.memory_space<hbm>> -> memref<1x100x256xf32, #tpu.memory_space<hbm>>
      %dma_start3A_203 = tpu.memref_squeeze %dma_start3A_202 : memref<1x100x256xf32, #tpu.memory_space<hbm>> -> memref<100x256xf32, #tpu.memory_space<hbm>>
      %dma_start3A_204 = arith.constant 0 : i32
      %dma_start3A_205 = arith.constant 128 : i32
      %dma_start3A_206 = tpu.memref_slice %dma_start3A_203[%dma_start3A_204, %dma_start3A_205] : memref<100x256xf32, #tpu.memory_space<hbm>> -> memref<100x128xf32, #tpu.memory_space<hbm>>
      %dma_start3A_207 = arith.constant 0 : i32
      %dma_start3A_208 = arith.constant 0 : i32
      %dma_start3A_209 = tpu.memref_slice %arg4[%add3A_199, %dma_start3A_207, %dma_start3A_208] : memref<4096x100x256xf32, #tpu.memory_space<hbm>> -> memref<1x100x256xf32, #tpu.memory_space<hbm>>
      %dma_start3A_210 = tpu.memref_squeeze %dma_start3A_209 : memref<1x100x256xf32, #tpu.memory_space<hbm>> -> memref<100x256xf32, #tpu.memory_space<hbm>>
      %dma_start3A_211 = arith.constant 0 : i32
      %dma_start3A_212 = arith.constant 128 : i32
      %dma_start3A_213 = tpu.memref_slice %dma_start3A_210[%dma_start3A_211, %dma_start3A_212] : memref<100x256xf32, #tpu.memory_space<hbm>> -> memref<100x128xf32, #tpu.memory_space<hbm>>
      tpu.enqueue_dma source(%arg12 : memref<100x128xf32, #tpu.memory_space<vmem>>) target(%dma_start3A_213 : memref<100x128xf32, #tpu.memory_space<hbm>>) target_semaphore(%arg28 : memref<!tpu.dma_semaphore, #tpu.memory_space<semaphore_mem>>)
      %mul3A_214 = arith.constant 4 : i32
      %mul3A_215 = arith.muli %mul3A_214, %scan3A_161 : i32
      %add3A_216 = arith.constant 1 : i32
      %add3A_217 = arith.addi %mul3A_215, %add3A_216 : i32
      %add3A_218 = arith.constant 2 : i32
      %add3A_219 = arith.addi %add3A_217, %add3A_218 : i32
      %lt3A_220 = arith.constant 128 : i32
      %lt3A_221 = arith.cmpi slt, %add3A_219, %lt3A_220 : i32
      %convert_element_type3A_222 = arith.extui %lt3A_221 : i1 to i32
      %cond3A_223 = arith.constant 0 : i32
      %cond3A_224 = arith.cmpi ne, %convert_element_type3A_222, %cond3A_223 : i32
      scf.if %cond3A_224 {
        %ge3A = arith.constant 2 : i32
        %ge3A_373 = arith.cmpi sge, %add3A_217, %ge3A : i32
        %convert_element_type3A_374 = arith.extui %ge3A_373 : i1 to i32
        %cond3A_375 = arith.constant 0 : i32
        %cond3A_376 = arith.cmpi ne, %convert_element_type3A_374, %cond3A_375 : i32
        scf.if %cond3A_376 {
          %dma_wait3A_393 = arith.constant 0 : i32
          %dma_wait3A_394 = arith.constant 0 : i32
          %dma_wait3A_395 = arith.constant 0 : i32
          %dma_wait3A_396 = tpu.memref_slice %arg4[%dma_wait3A_393, %dma_wait3A_394, %dma_wait3A_395] : memref<4096x100x256xf32, #tpu.memory_space<hbm>> -> memref<1x100x256xf32, #tpu.memory_space<hbm>>
          %dma_wait3A_397 = tpu.memref_squeeze %dma_wait3A_396 : memref<1x100x256xf32, #tpu.memory_space<hbm>> -> memref<100x256xf32, #tpu.memory_space<hbm>>
          %dma_wait3A_398 = arith.constant 0 : i32
          %dma_wait3A_399 = arith.constant 0 : i32
          %dma_wait3A_400 = tpu.memref_slice %dma_wait3A_397[%dma_wait3A_398, %dma_wait3A_399] : memref<100x256xf32, #tpu.memory_space<hbm>> -> memref<100x128xf32, #tpu.memory_space<hbm>>
          %dma_wait3A_401 = arith.constant 0 : i32
          %dma_wait3A_402 = arith.constant 0 : i32
          %dma_wait3A_403 = tpu.memref_slice %arg4[%dma_wait3A_393, %dma_wait3A_401, %dma_wait3A_402] : memref<4096x100x256xf32, #tpu.memory_space<hbm>> -> memref<1x100x256xf32, #tpu.memory_space<hbm>>
          %dma_wait3A_404 = tpu.memref_squeeze %dma_wait3A_403 : memref<1x100x256xf32, #tpu.memory_space<hbm>> -> memref<100x256xf32, #tpu.memory_space<hbm>>
          %dma_wait3A_405 = arith.constant 0 : i32
          %dma_wait3A_406 = arith.constant 0 : i32
          %dma_wait3A_407 = tpu.memref_slice %dma_wait3A_404[%dma_wait3A_405, %dma_wait3A_406] : memref<100x256xf32, #tpu.memory_space<hbm>> -> memref<100x128xf32, #tpu.memory_space<hbm>>
          tpu.wait_dma2 semaphore(%arg27 : memref<!tpu.dma_semaphore, #tpu.memory_space<semaphore_mem>>) src(%arg11 : memref<100x128xf32, #tpu.memory_space<vmem>>) dst(%dma_wait3A_407 : memref<100x128xf32, #tpu.memory_space<hbm>>)
          %dma_wait3A_408 = arith.constant 0 : i32
          %dma_wait3A_409 = arith.constant 0 : i32
          %dma_wait3A_410 = arith.constant 0 : i32
          %dma_wait3A_411 = tpu.memref_slice %arg4[%dma_wait3A_408, %dma_wait3A_409, %dma_wait3A_410] : memref<4096x100x256xf32, #tpu.memory_space<hbm>> -> memref<1x100x256xf32, #tpu.memory_space<hbm>>
          %dma_wait3A_412 = tpu.memref_squeeze %dma_wait3A_411 : memref<1x100x256xf32, #tpu.memory_space<hbm>> -> memref<100x256xf32, #tpu.memory_space<hbm>>
          %dma_wait3A_413 = arith.constant 0 : i32
          %dma_wait3A_414 = arith.constant 128 : i32
          %dma_wait3A_415 = tpu.memref_slice %dma_wait3A_412[%dma_wait3A_413, %dma_wait3A_414] : memref<100x256xf32, #tpu.memory_space<hbm>> -> memref<100x128xf32, #tpu.memory_space<hbm>>
          %dma_wait3A_416 = arith.constant 0 : i32
          %dma_wait3A_417 = arith.constant 0 : i32
          %dma_wait3A_418 = tpu.memref_slice %arg4[%dma_wait3A_408, %dma_wait3A_416, %dma_wait3A_417] : memref<4096x100x256xf32, #tpu.memory_space<hbm>> -> memref<1x100x256xf32, #tpu.memory_space<hbm>>
          %dma_wait3A_419 = tpu.memref_squeeze %dma_wait3A_418 : memref<1x100x256xf32, #tpu.memory_space<hbm>> -> memref<100x256xf32, #tpu.memory_space<hbm>>
          %dma_wait3A_420 = arith.constant 0 : i32
          %dma_wait3A_421 = arith.constant 128 : i32
          %dma_wait3A_422 = tpu.memref_slice %dma_wait3A_419[%dma_wait3A_420, %dma_wait3A_421] : memref<100x256xf32, #tpu.memory_space<hbm>> -> memref<100x128xf32, #tpu.memory_space<hbm>>
          tpu.wait_dma2 semaphore(%arg31 : memref<!tpu.dma_semaphore, #tpu.memory_space<semaphore_mem>>) src(%arg15 : memref<100x128xf32, #tpu.memory_space<vmem>>) dst(%dma_wait3A_422 : memref<100x128xf32, #tpu.memory_space<hbm>>)
        } else {
        }
        %add3A_377 = arith.constant 2 : i32
        %add3A_378 = arith.addi %add3A_217, %add3A_377 : i32
        %dma_start3A_379 = arith.constant 0 : i32
        %dma_start3A_380 = tpu.memref_slice %arg5[%add3A_378, %dma_start3A_379] : memref<128x100xi32, #tpu.memory_space<vmem>> -> memref<1x100xi32, #tpu.memory_space<vmem>>
        %dma_start3A_381 = tpu.memref_squeeze %dma_start3A_380 : memref<1x100xi32, #tpu.memory_space<vmem>> -> memref<100xi32, #tpu.memory_space<vmem>>
        %dma_start3A_382 = arith.constant 0 : i32
        %dma_start3A_383 = arith.constant 0 : i32
        %dma_start3A_384 = tpu.memref_slice %arg6[%dma_start3A_382, %dma_start3A_383] : memref<120x128xf32, #tpu.memory_space<vmem_shared>> -> memref<120x128xf32, #tpu.memory_space<vmem_shared>>
        tpu.enqueue_indirect_dma source(%dma_start3A_384 : memref<120x128xf32, #tpu.memory_space<vmem_shared>>) target(%arg11 : memref<100x128xf32, #tpu.memory_space<vmem>>) offsets(%dma_start3A_381 : memref<100xi32, #tpu.memory_space<vmem>>) semaphore(%arg19 : memref<!tpu.dma_semaphore, #tpu.memory_space<semaphore_mem>>)
        %add3A_385 = arith.constant 2 : i32
        %add3A_386 = arith.addi %add3A_217, %add3A_385 : i32
        %dma_start3A_387 = arith.constant 0 : i32
        %dma_start3A_388 = tpu.memref_slice %arg5[%add3A_386, %dma_start3A_387] : memref<128x100xi32, #tpu.memory_space<vmem>> -> memref<1x100xi32, #tpu.memory_space<vmem>>
        %dma_start3A_389 = tpu.memref_squeeze %dma_start3A_388 : memref<1x100xi32, #tpu.memory_space<vmem>> -> memref<100xi32, #tpu.memory_space<vmem>>
        %dma_start3A_390 = arith.constant 0 : i32
        %dma_start3A_391 = arith.constant 0 : i32
        %dma_start3A_392 = tpu.memref_slice %arg7[%dma_start3A_390, %dma_start3A_391] : memref<120x128xf32, #tpu.memory_space<vmem_shared>> -> memref<120x128xf32, #tpu.memory_space<vmem_shared>>
        tpu.enqueue_indirect_dma source(%dma_start3A_392 : memref<120x128xf32, #tpu.memory_space<vmem_shared>>) target(%arg15 : memref<100x128xf32, #tpu.memory_space<vmem>>) offsets(%dma_start3A_389 : memref<100xi32, #tpu.memory_space<vmem>>) semaphore(%arg23 : memref<!tpu.dma_semaphore, #tpu.memory_space<semaphore_mem>>)
      } else {
      }
      %dma_wait3A_225 = arith.constant 0 : i32
      %dma_wait3A_226 = tpu.memref_slice %arg5[%add3A_217, %dma_wait3A_225] : memref<128x100xi32, #tpu.memory_space<vmem>> -> memref<1x100xi32, #tpu.memory_space<vmem>>
      %dma_wait3A_227 = tpu.memref_squeeze %dma_wait3A_226 : memref<1x100xi32, #tpu.memory_space<vmem>> -> memref<100xi32, #tpu.memory_space<vmem>>
      %dma_wait3A_228 = arith.constant 0 : i32
      %dma_wait3A_229 = arith.constant 0 : i32
      %dma_wait3A_230 = tpu.memref_slice %arg6[%dma_wait3A_228, %dma_wait3A_229] : memref<120x128xf32, #tpu.memory_space<vmem_shared>> -> memref<120x128xf32, #tpu.memory_space<vmem_shared>>
      tpu.wait_indirect_dma semaphore(%arg17 : memref<!tpu.dma_semaphore, #tpu.memory_space<semaphore_mem>>) src(%dma_wait3A_230 : memref<120x128xf32, #tpu.memory_space<vmem_shared>>) dst(%arg9 : memref<100x128xf32, #tpu.memory_space<vmem>>)
      %add3A_231 = arith.addi %mul3A_2, %add3A_217 : i32
      %dma_start3A_232 = arith.constant 0 : i32
      %dma_start3A_233 = arith.constant 0 : i32
      %dma_start3A_234 = tpu.memref_slice %arg4[%add3A_231, %dma_start3A_232, %dma_start3A_233] : memref<4096x100x256xf32, #tpu.memory_space<hbm>> -> memref<1x100x256xf32, #tpu.memory_space<hbm>>
      %dma_start3A_235 = tpu.memref_squeeze %dma_start3A_234 : memref<1x100x256xf32, #tpu.memory_space<hbm>> -> memref<100x256xf32, #tpu.memory_space<hbm>>
      %dma_start3A_236 = arith.constant 0 : i32
      %dma_start3A_237 = arith.constant 0 : i32
      %dma_start3A_238 = tpu.memref_slice %dma_start3A_235[%dma_start3A_236, %dma_start3A_237] : memref<100x256xf32, #tpu.memory_space<hbm>> -> memref<100x128xf32, #tpu.memory_space<hbm>>
      %dma_start3A_239 = arith.constant 0 : i32
      %dma_start3A_240 = arith.constant 0 : i32
      %dma_start3A_241 = tpu.memref_slice %arg4[%add3A_231, %dma_start3A_239, %dma_start3A_240] : memref<4096x100x256xf32, #tpu.memory_space<hbm>> -> memref<1x100x256xf32, #tpu.memory_space<hbm>>
      %dma_start3A_242 = tpu.memref_squeeze %dma_start3A_241 : memref<1x100x256xf32, #tpu.memory_space<hbm>> -> memref<100x256xf32, #tpu.memory_space<hbm>>
      %dma_start3A_243 = arith.constant 0 : i32
      %dma_start3A_244 = arith.constant 0 : i32
      %dma_start3A_245 = tpu.memref_slice %dma_start3A_242[%dma_start3A_243, %dma_start3A_244] : memref<100x256xf32, #tpu.memory_space<hbm>> -> memref<100x128xf32, #tpu.memory_space<hbm>>
      tpu.enqueue_dma source(%arg9 : memref<100x128xf32, #tpu.memory_space<vmem>>) target(%dma_start3A_245 : memref<100x128xf32, #tpu.memory_space<hbm>>) target_semaphore(%arg25 : memref<!tpu.dma_semaphore, #tpu.memory_space<semaphore_mem>>)
      %dma_wait3A_246 = arith.constant 0 : i32
      %dma_wait3A_247 = tpu.memref_slice %arg5[%add3A_217, %dma_wait3A_246] : memref<128x100xi32, #tpu.memory_space<vmem>> -> memref<1x100xi32, #tpu.memory_space<vmem>>
      %dma_wait3A_248 = tpu.memref_squeeze %dma_wait3A_247 : memref<1x100xi32, #tpu.memory_space<vmem>> -> memref<100xi32, #tpu.memory_space<vmem>>
      %dma_wait3A_249 = arith.constant 0 : i32
      %dma_wait3A_250 = arith.constant 0 : i32
      %dma_wait3A_251 = tpu.memref_slice %arg7[%dma_wait3A_249, %dma_wait3A_250] : memref<120x128xf32, #tpu.memory_space<vmem_shared>> -> memref<120x128xf32, #tpu.memory_space<vmem_shared>>
      tpu.wait_indirect_dma semaphore(%arg21 : memref<!tpu.dma_semaphore, #tpu.memory_space<semaphore_mem>>) src(%dma_wait3A_251 : memref<120x128xf32, #tpu.memory_space<vmem_shared>>) dst(%arg13 : memref<100x128xf32, #tpu.memory_space<vmem>>)
      %add3A_252 = arith.addi %mul3A_2, %add3A_217 : i32
      %dma_start3A_253 = arith.constant 0 : i32
      %dma_start3A_254 = arith.constant 0 : i32
      %dma_start3A_255 = tpu.memref_slice %arg4[%add3A_252, %dma_start3A_253, %dma_start3A_254] : memref<4096x100x256xf32, #tpu.memory_space<hbm>> -> memref<1x100x256xf32, #tpu.memory_space<hbm>>
      %dma_start3A_256 = tpu.memref_squeeze %dma_start3A_255 : memref<1x100x256xf32, #tpu.memory_space<hbm>> -> memref<100x256xf32, #tpu.memory_space<hbm>>
      %dma_start3A_257 = arith.constant 0 : i32
      %dma_start3A_258 = arith.constant 128 : i32
      %dma_start3A_259 = tpu.memref_slice %dma_start3A_256[%dma_start3A_257, %dma_start3A_258] : memref<100x256xf32, #tpu.memory_space<hbm>> -> memref<100x128xf32, #tpu.memory_space<hbm>>
      %dma_start3A_260 = arith.constant 0 : i32
      %dma_start3A_261 = arith.constant 0 : i32
      %dma_start3A_262 = tpu.memref_slice %arg4[%add3A_252, %dma_start3A_260, %dma_start3A_261] : memref<4096x100x256xf32, #tpu.memory_space<hbm>> -> memref<1x100x256xf32, #tpu.memory_space<hbm>>
      %dma_start3A_263 = tpu.memref_squeeze %dma_start3A_262 : memref<1x100x256xf32, #tpu.memory_space<hbm>> -> memref<100x256xf32, #tpu.memory_space<hbm>>
      %dma_start3A_264 = arith.constant 0 : i32
      %dma_start3A_265 = arith.constant 128 : i32
      %dma_start3A_266 = tpu.memref_slice %dma_start3A_263[%dma_start3A_264, %dma_start3A_265] : memref<100x256xf32, #tpu.memory_space<hbm>> -> memref<100x128xf32, #tpu.memory_space<hbm>>
      tpu.enqueue_dma source(%arg13 : memref<100x128xf32, #tpu.memory_space<vmem>>) target(%dma_start3A_266 : memref<100x128xf32, #tpu.memory_space<hbm>>) target_semaphore(%arg29 : memref<!tpu.dma_semaphore, #tpu.memory_space<semaphore_mem>>)
      %mul3A_267 = arith.constant 4 : i32
      %mul3A_268 = arith.muli %mul3A_267, %scan3A_161 : i32
      %add3A_269 = arith.constant 2 : i32
      %add3A_270 = arith.addi %mul3A_268, %add3A_269 : i32
      %add3A_271 = arith.constant 2 : i32
      %add3A_272 = arith.addi %add3A_270, %add3A_271 : i32
      %lt3A_273 = arith.constant 128 : i32
      %lt3A_274 = arith.cmpi slt, %add3A_272, %lt3A_273 : i32
      %convert_element_type3A_275 = arith.extui %lt3A_274 : i1 to i32
      %cond3A_276 = arith.constant 0 : i32
      %cond3A_277 = arith.cmpi ne, %convert_element_type3A_275, %cond3A_276 : i32
      scf.if %cond3A_277 {
        %ge3A = arith.constant 2 : i32
        %ge3A_373 = arith.cmpi sge, %add3A_270, %ge3A : i32
        %convert_element_type3A_374 = arith.extui %ge3A_373 : i1 to i32
        %cond3A_375 = arith.constant 0 : i32
        %cond3A_376 = arith.cmpi ne, %convert_element_type3A_374, %cond3A_375 : i32
        scf.if %cond3A_376 {
          %dma_wait3A_393 = arith.constant 0 : i32
          %dma_wait3A_394 = arith.constant 0 : i32
          %dma_wait3A_395 = arith.constant 0 : i32
          %dma_wait3A_396 = tpu.memref_slice %arg4[%dma_wait3A_393, %dma_wait3A_394, %dma_wait3A_395] : memref<4096x100x256xf32, #tpu.memory_space<hbm>> -> memref<1x100x256xf32, #tpu.memory_space<hbm>>
          %dma_wait3A_397 = tpu.memref_squeeze %dma_wait3A_396 : memref<1x100x256xf32, #tpu.memory_space<hbm>> -> memref<100x256xf32, #tpu.memory_space<hbm>>
          %dma_wait3A_398 = arith.constant 0 : i32
          %dma_wait3A_399 = arith.constant 0 : i32
          %dma_wait3A_400 = tpu.memref_slice %dma_wait3A_397[%dma_wait3A_398, %dma_wait3A_399] : memref<100x256xf32, #tpu.memory_space<hbm>> -> memref<100x128xf32, #tpu.memory_space<hbm>>
          %dma_wait3A_401 = arith.constant 0 : i32
          %dma_wait3A_402 = arith.constant 0 : i32
          %dma_wait3A_403 = tpu.memref_slice %arg4[%dma_wait3A_393, %dma_wait3A_401, %dma_wait3A_402] : memref<4096x100x256xf32, #tpu.memory_space<hbm>> -> memref<1x100x256xf32, #tpu.memory_space<hbm>>
          %dma_wait3A_404 = tpu.memref_squeeze %dma_wait3A_403 : memref<1x100x256xf32, #tpu.memory_space<hbm>> -> memref<100x256xf32, #tpu.memory_space<hbm>>
          %dma_wait3A_405 = arith.constant 0 : i32
          %dma_wait3A_406 = arith.constant 0 : i32
          %dma_wait3A_407 = tpu.memref_slice %dma_wait3A_404[%dma_wait3A_405, %dma_wait3A_406] : memref<100x256xf32, #tpu.memory_space<hbm>> -> memref<100x128xf32, #tpu.memory_space<hbm>>
          tpu.wait_dma2 semaphore(%arg24 : memref<!tpu.dma_semaphore, #tpu.memory_space<semaphore_mem>>) src(%arg8 : memref<100x128xf32, #tpu.memory_space<vmem>>) dst(%dma_wait3A_407 : memref<100x128xf32, #tpu.memory_space<hbm>>)
          %dma_wait3A_408 = arith.constant 0 : i32
          %dma_wait3A_409 = arith.constant 0 : i32
          %dma_wait3A_410 = arith.constant 0 : i32
          %dma_wait3A_411 = tpu.memref_slice %arg4[%dma_wait3A_408, %dma_wait3A_409, %dma_wait3A_410] : memref<4096x100x256xf32, #tpu.memory_space<hbm>> -> memref<1x100x256xf32, #tpu.memory_space<hbm>>
          %dma_wait3A_412 = tpu.memref_squeeze %dma_wait3A_411 : memref<1x100x256xf32, #tpu.memory_space<hbm>> -> memref<100x256xf32, #tpu.memory_space<hbm>>
          %dma_wait3A_413 = arith.constant 0 : i32
          %dma_wait3A_414 = arith.constant 128 : i32
          %dma_wait3A_415 = tpu.memref_slice %dma_wait3A_412[%dma_wait3A_413, %dma_wait3A_414] : memref<100x256xf32, #tpu.memory_space<hbm>> -> memref<100x128xf32, #tpu.memory_space<hbm>>
          %dma_wait3A_416 = arith.constant 0 : i32
          %dma_wait3A_417 = arith.constant 0 : i32
          %dma_wait3A_418 = tpu.memref_slice %arg4[%dma_wait3A_408, %dma_wait3A_416, %dma_wait3A_417] : memref<4096x100x256xf32, #tpu.memory_space<hbm>> -> memref<1x100x256xf32, #tpu.memory_space<hbm>>
          %dma_wait3A_419 = tpu.memref_squeeze %dma_wait3A_418 : memref<1x100x256xf32, #tpu.memory_space<hbm>> -> memref<100x256xf32, #tpu.memory_space<hbm>>
          %dma_wait3A_420 = arith.constant 0 : i32
          %dma_wait3A_421 = arith.constant 128 : i32
          %dma_wait3A_422 = tpu.memref_slice %dma_wait3A_419[%dma_wait3A_420, %dma_wait3A_421] : memref<100x256xf32, #tpu.memory_space<hbm>> -> memref<100x128xf32, #tpu.memory_space<hbm>>
          tpu.wait_dma2 semaphore(%arg28 : memref<!tpu.dma_semaphore, #tpu.memory_space<semaphore_mem>>) src(%arg12 : memref<100x128xf32, #tpu.memory_space<vmem>>) dst(%dma_wait3A_422 : memref<100x128xf32, #tpu.memory_space<hbm>>)
        } else {
        }
        %add3A_377 = arith.constant 2 : i32
        %add3A_378 = arith.addi %add3A_270, %add3A_377 : i32
        %dma_start3A_379 = arith.constant 0 : i32
        %dma_start3A_380 = tpu.memref_slice %arg5[%add3A_378, %dma_start3A_379] : memref<128x100xi32, #tpu.memory_space<vmem>> -> memref<1x100xi32, #tpu.memory_space<vmem>>
        %dma_start3A_381 = tpu.memref_squeeze %dma_start3A_380 : memref<1x100xi32, #tpu.memory_space<vmem>> -> memref<100xi32, #tpu.memory_space<vmem>>
        %dma_start3A_382 = arith.constant 0 : i32
        %dma_start3A_383 = arith.constant 0 : i32
        %dma_start3A_384 = tpu.memref_slice %arg6[%dma_start3A_382, %dma_start3A_383] : memref<120x128xf32, #tpu.memory_space<vmem_shared>> -> memref<120x128xf32, #tpu.memory_space<vmem_shared>>
        tpu.enqueue_indirect_dma source(%dma_start3A_384 : memref<120x128xf32, #tpu.memory_space<vmem_shared>>) target(%arg8 : memref<100x128xf32, #tpu.memory_space<vmem>>) offsets(%dma_start3A_381 : memref<100xi32, #tpu.memory_space<vmem>>) semaphore(%arg16 : memref<!tpu.dma_semaphore, #tpu.memory_space<semaphore_mem>>)
        %add3A_385 = arith.constant 2 : i32
        %add3A_386 = arith.addi %add3A_270, %add3A_385 : i32
        %dma_start3A_387 = arith.constant 0 : i32
        %dma_start3A_388 = tpu.memref_slice %arg5[%add3A_386, %dma_start3A_387] : memref<128x100xi32, #tpu.memory_space<vmem>> -> memref<1x100xi32, #tpu.memory_space<vmem>>
        %dma_start3A_389 = tpu.memref_squeeze %dma_start3A_388 : memref<1x100xi32, #tpu.memory_space<vmem>> -> memref<100xi32, #tpu.memory_space<vmem>>
        %dma_start3A_390 = arith.constant 0 : i32
        %dma_start3A_391 = arith.constant 0 : i32
        %dma_start3A_392 = tpu.memref_slice %arg7[%dma_start3A_390, %dma_start3A_391] : memref<120x128xf32, #tpu.memory_space<vmem_shared>> -> memref<120x128xf32, #tpu.memory_space<vmem_shared>>
        tpu.enqueue_indirect_dma source(%dma_start3A_392 : memref<120x128xf32, #tpu.memory_space<vmem_shared>>) target(%arg12 : memref<100x128xf32, #tpu.memory_space<vmem>>) offsets(%dma_start3A_389 : memref<100xi32, #tpu.memory_space<vmem>>) semaphore(%arg20 : memref<!tpu.dma_semaphore, #tpu.memory_space<semaphore_mem>>)
      } else {
      }
      %dma_wait3A_278 = arith.constant 0 : i32
      %dma_wait3A_279 = tpu.memref_slice %arg5[%add3A_270, %dma_wait3A_278] : memref<128x100xi32, #tpu.memory_space<vmem>> -> memref<1x100xi32, #tpu.memory_space<vmem>>
      %dma_wait3A_280 = tpu.memref_squeeze %dma_wait3A_279 : memref<1x100xi32, #tpu.memory_space<vmem>> -> memref<100xi32, #tpu.memory_space<vmem>>
      %dma_wait3A_281 = arith.constant 0 : i32
      %dma_wait3A_282 = arith.constant 0 : i32
      %dma_wait3A_283 = tpu.memref_slice %arg6[%dma_wait3A_281, %dma_wait3A_282] : memref<120x128xf32, #tpu.memory_space<vmem_shared>> -> memref<120x128xf32, #tpu.memory_space<vmem_shared>>
      tpu.wait_indirect_dma semaphore(%arg18 : memref<!tpu.dma_semaphore, #tpu.memory_space<semaphore_mem>>) src(%dma_wait3A_283 : memref<120x128xf32, #tpu.memory_space<vmem_shared>>) dst(%arg10 : memref<100x128xf32, #tpu.memory_space<vmem>>)
      %add3A_284 = arith.addi %mul3A_2, %add3A_270 : i32
      %dma_start3A_285 = arith.constant 0 : i32
      %dma_start3A_286 = arith.constant 0 : i32
      %dma_start3A_287 = tpu.memref_slice %arg4[%add3A_284, %dma_start3A_285, %dma_start3A_286] : memref<4096x100x256xf32, #tpu.memory_space<hbm>> -> memref<1x100x256xf32, #tpu.memory_space<hbm>>
      %dma_start3A_288 = tpu.memref_squeeze %dma_start3A_287 : memref<1x100x256xf32, #tpu.memory_space<hbm>> -> memref<100x256xf32, #tpu.memory_space<hbm>>
      %dma_start3A_289 = arith.constant 0 : i32
      %dma_start3A_290 = arith.constant 0 : i32
      %dma_start3A_291 = tpu.memref_slice %dma_start3A_288[%dma_start3A_289, %dma_start3A_290] : memref<100x256xf32, #tpu.memory_space<hbm>> -> memref<100x128xf32, #tpu.memory_space<hbm>>
      %dma_start3A_292 = arith.constant 0 : i32
      %dma_start3A_293 = arith.constant 0 : i32
      %dma_start3A_294 = tpu.memref_slice %arg4[%add3A_284, %dma_start3A_292, %dma_start3A_293] : memref<4096x100x256xf32, #tpu.memory_space<hbm>> -> memref<1x100x256xf32, #tpu.memory_space<hbm>>
      %dma_start3A_295 = tpu.memref_squeeze %dma_start3A_294 : memref<1x100x256xf32, #tpu.memory_space<hbm>> -> memref<100x256xf32, #tpu.memory_space<hbm>>
      %dma_start3A_296 = arith.constant 0 : i32
      %dma_start3A_297 = arith.constant 0 : i32
      %dma_start3A_298 = tpu.memref_slice %dma_start3A_295[%dma_start3A_296, %dma_start3A_297] : memref<100x256xf32, #tpu.memory_space<hbm>> -> memref<100x128xf32, #tpu.memory_space<hbm>>
      tpu.enqueue_dma source(%arg10 : memref<100x128xf32, #tpu.memory_space<vmem>>) target(%dma_start3A_298 : memref<100x128xf32, #tpu.memory_space<hbm>>) target_semaphore(%arg26 : memref<!tpu.dma_semaphore, #tpu.memory_space<semaphore_mem>>)
      %dma_wait3A_299 = arith.constant 0 : i32
      %dma_wait3A_300 = tpu.memref_slice %arg5[%add3A_270, %dma_wait3A_299] : memref<128x100xi32, #tpu.memory_space<vmem>> -> memref<1x100xi32, #tpu.memory_space<vmem>>
      %dma_wait3A_301 = tpu.memref_squeeze %dma_wait3A_300 : memref<1x100xi32, #tpu.memory_space<vmem>> -> memref<100xi32, #tpu.memory_space<vmem>>
      %dma_wait3A_302 = arith.constant 0 : i32
      %dma_wait3A_303 = arith.constant 0 : i32
      %dma_wait3A_304 = tpu.memref_slice %arg7[%dma_wait3A_302, %dma_wait3A_303] : memref<120x128xf32, #tpu.memory_space<vmem_shared>> -> memref<120x128xf32, #tpu.memory_space<vmem_shared>>
      tpu.wait_indirect_dma semaphore(%arg22 : memref<!tpu.dma_semaphore, #tpu.memory_space<semaphore_mem>>) src(%dma_wait3A_304 : memref<120x128xf32, #tpu.memory_space<vmem_shared>>) dst(%arg14 : memref<100x128xf32, #tpu.memory_space<vmem>>)
      %add3A_305 = arith.addi %mul3A_2, %add3A_270 : i32
      %dma_start3A_306 = arith.constant 0 : i32
      %dma_start3A_307 = arith.constant 0 : i32
      %dma_start3A_308 = tpu.memref_slice %arg4[%add3A_305, %dma_start3A_306, %dma_start3A_307] : memref<4096x100x256xf32, #tpu.memory_space<hbm>> -> memref<1x100x256xf32, #tpu.memory_space<hbm>>
      %dma_start3A_309 = tpu.memref_squeeze %dma_start3A_308 : memref<1x100x256xf32, #tpu.memory_space<hbm>> -> memref<100x256xf32, #tpu.memory_space<hbm>>
      %dma_start3A_310 = arith.constant 0 : i32
      %dma_start3A_311 = arith.constant 128 : i32
      %dma_start3A_312 = tpu.memref_slice %dma_start3A_309[%dma_start3A_310, %dma_start3A_311] : memref<100x256xf32, #tpu.memory_space<hbm>> -> memref<100x128xf32, #tpu.memory_space<hbm>>
      %dma_start3A_313 = arith.constant 0 : i32
      %dma_start3A_314 = arith.constant 0 : i32
      %dma_start3A_315 = tpu.memref_slice %arg4[%add3A_305, %dma_start3A_313, %dma_start3A_314] : memref<4096x100x256xf32, #tpu.memory_space<hbm>> -> memref<1x100x256xf32, #tpu.memory_space<hbm>>
      %dma_start3A_316 = tpu.memref_squeeze %dma_start3A_315 : memref<1x100x256xf32, #tpu.memory_space<hbm>> -> memref<100x256xf32, #tpu.memory_space<hbm>>
      %dma_start3A_317 = arith.constant 0 : i32
      %dma_start3A_318 = arith.constant 128 : i32
      %dma_start3A_319 = tpu.memref_slice %dma_start3A_316[%dma_start3A_317, %dma_start3A_318] : memref<100x256xf32, #tpu.memory_space<hbm>> -> memref<100x128xf32, #tpu.memory_space<hbm>>
      tpu.enqueue_dma source(%arg14 : memref<100x128xf32, #tpu.memory_space<vmem>>) target(%dma_start3A_319 : memref<100x128xf32, #tpu.memory_space<hbm>>) target_semaphore(%arg30 : memref<!tpu.dma_semaphore, #tpu.memory_space<semaphore_mem>>)
      %mul3A_320 = arith.constant 4 : i32
      %mul3A_321 = arith.muli %mul3A_320, %scan3A_161 : i32
      %add3A_322 = arith.constant 3 : i32
      %add3A_323 = arith.addi %mul3A_321, %add3A_322 : i32
      %add3A_324 = arith.constant 2 : i32
      %add3A_325 = arith.addi %add3A_323, %add3A_324 : i32
      %lt3A_326 = arith.constant 128 : i32
      %lt3A_327 = arith.cmpi slt, %add3A_325, %lt3A_326 : i32
      %convert_element_type3A_328 = arith.extui %lt3A_327 : i1 to i32
      %cond3A_329 = arith.constant 0 : i32
      %cond3A_330 = arith.cmpi ne, %convert_element_type3A_328, %cond3A_329 : i32
      scf.if %cond3A_330 {
        %ge3A = arith.constant 2 : i32
        %ge3A_373 = arith.cmpi sge, %add3A_323, %ge3A : i32
        %convert_element_type3A_374 = arith.extui %ge3A_373 : i1 to i32
        %cond3A_375 = arith.constant 0 : i32
        %cond3A_376 = arith.cmpi ne, %convert_element_type3A_374, %cond3A_375 : i32
        scf.if %cond3A_376 {
          %dma_wait3A_393 = arith.constant 0 : i32
          %dma_wait3A_394 = arith.constant 0 : i32
          %dma_wait3A_395 = arith.constant 0 : i32
          %dma_wait3A_396 = tpu.memref_slice %arg4[%dma_wait3A_393, %dma_wait3A_394, %dma_wait3A_395] : memref<4096x100x256xf32, #tpu.memory_space<hbm>> -> memref<1x100x256xf32, #tpu.memory_space<hbm>>
          %dma_wait3A_397 = tpu.memref_squeeze %dma_wait3A_396 : memref<1x100x256xf32, #tpu.memory_space<hbm>> -> memref<100x256xf32, #tpu.memory_space<hbm>>
          %dma_wait3A_398 = arith.constant 0 : i32
          %dma_wait3A_399 = arith.constant 0 : i32
          %dma_wait3A_400 = tpu.memref_slice %dma_wait3A_397[%dma_wait3A_398, %dma_wait3A_399] : memref<100x256xf32, #tpu.memory_space<hbm>> -> memref<100x128xf32, #tpu.memory_space<hbm>>
          %dma_wait3A_401 = arith.constant 0 : i32
          %dma_wait3A_402 = arith.constant 0 : i32
          %dma_wait3A_403 = tpu.memref_slice %arg4[%dma_wait3A_393, %dma_wait3A_401, %dma_wait3A_402] : memref<4096x100x256xf32, #tpu.memory_space<hbm>> -> memref<1x100x256xf32, #tpu.memory_space<hbm>>
          %dma_wait3A_404 = tpu.memref_squeeze %dma_wait3A_403 : memref<1x100x256xf32, #tpu.memory_space<hbm>> -> memref<100x256xf32, #tpu.memory_space<hbm>>
          %dma_wait3A_405 = arith.constant 0 : i32
          %dma_wait3A_406 = arith.constant 0 : i32
          %dma_wait3A_407 = tpu.memref_slice %dma_wait3A_404[%dma_wait3A_405, %dma_wait3A_406] : memref<100x256xf32, #tpu.memory_space<hbm>> -> memref<100x128xf32, #tpu.memory_space<hbm>>
          tpu.wait_dma2 semaphore(%arg25 : memref<!tpu.dma_semaphore, #tpu.memory_space<semaphore_mem>>) src(%arg9 : memref<100x128xf32, #tpu.memory_space<vmem>>) dst(%dma_wait3A_407 : memref<100x128xf32, #tpu.memory_space<hbm>>)
          %dma_wait3A_408 = arith.constant 0 : i32
          %dma_wait3A_409 = arith.constant 0 : i32
          %dma_wait3A_410 = arith.constant 0 : i32
          %dma_wait3A_411 = tpu.memref_slice %arg4[%dma_wait3A_408, %dma_wait3A_409, %dma_wait3A_410] : memref<4096x100x256xf32, #tpu.memory_space<hbm>> -> memref<1x100x256xf32, #tpu.memory_space<hbm>>
          %dma_wait3A_412 = tpu.memref_squeeze %dma_wait3A_411 : memref<1x100x256xf32, #tpu.memory_space<hbm>> -> memref<100x256xf32, #tpu.memory_space<hbm>>
          %dma_wait3A_413 = arith.constant 0 : i32
          %dma_wait3A_414 = arith.constant 128 : i32
          %dma_wait3A_415 = tpu.memref_slice %dma_wait3A_412[%dma_wait3A_413, %dma_wait3A_414] : memref<100x256xf32, #tpu.memory_space<hbm>> -> memref<100x128xf32, #tpu.memory_space<hbm>>
          %dma_wait3A_416 = arith.constant 0 : i32
          %dma_wait3A_417 = arith.constant 0 : i32
          %dma_wait3A_418 = tpu.memref_slice %arg4[%dma_wait3A_408, %dma_wait3A_416, %dma_wait3A_417] : memref<4096x100x256xf32, #tpu.memory_space<hbm>> -> memref<1x100x256xf32, #tpu.memory_space<hbm>>
          %dma_wait3A_419 = tpu.memref_squeeze %dma_wait3A_418 : memref<1x100x256xf32, #tpu.memory_space<hbm>> -> memref<100x256xf32, #tpu.memory_space<hbm>>
          %dma_wait3A_420 = arith.constant 0 : i32
          %dma_wait3A_421 = arith.constant 128 : i32
          %dma_wait3A_422 = tpu.memref_slice %dma_wait3A_419[%dma_wait3A_420, %dma_wait3A_421] : memref<100x256xf32, #tpu.memory_space<hbm>> -> memref<100x128xf32, #tpu.memory_space<hbm>>
          tpu.wait_dma2 semaphore(%arg29 : memref<!tpu.dma_semaphore, #tpu.memory_space<semaphore_mem>>) src(%arg13 : memref<100x128xf32, #tpu.memory_space<vmem>>) dst(%dma_wait3A_422 : memref<100x128xf32, #tpu.memory_space<hbm>>)
        } else {
        }
        %add3A_377 = arith.constant 2 : i32
        %add3A_378 = arith.addi %add3A_323, %add3A_377 : i32
        %dma_start3A_379 = arith.constant 0 : i32
        %dma_start3A_380 = tpu.memref_slice %arg5[%add3A_378, %dma_start3A_379] : memref<128x100xi32, #tpu.memory_space<vmem>> -> memref<1x100xi32, #tpu.memory_space<vmem>>
        %dma_start3A_381 = tpu.memref_squeeze %dma_start3A_380 : memref<1x100xi32, #tpu.memory_space<vmem>> -> memref<100xi32, #tpu.memory_space<vmem>>
        %dma_start3A_382 = arith.constant 0 : i32
        %dma_start3A_383 = arith.constant 0 : i32
        %dma_start3A_384 = tpu.memref_slice %arg6[%dma_start3A_382, %dma_start3A_383] : memref<120x128xf32, #tpu.memory_space<vmem_shared>> -> memref<120x128xf32, #tpu.memory_space<vmem_shared>>
        tpu.enqueue_indirect_dma source(%dma_start3A_384 : memref<120x128xf32, #tpu.memory_space<vmem_shared>>) target(%arg9 : memref<100x128xf32, #tpu.memory_space<vmem>>) offsets(%dma_start3A_381 : memref<100xi32, #tpu.memory_space<vmem>>) semaphore(%arg17 : memref<!tpu.dma_semaphore, #tpu.memory_space<semaphore_mem>>)
        %add3A_385 = arith.constant 2 : i32
        %add3A_386 = arith.addi %add3A_323, %add3A_385 : i32
        %dma_start3A_387 = arith.constant 0 : i32
        %dma_start3A_388 = tpu.memref_slice %arg5[%add3A_386, %dma_start3A_387] : memref<128x100xi32, #tpu.memory_space<vmem>> -> memref<1x100xi32, #tpu.memory_space<vmem>>
        %dma_start3A_389 = tpu.memref_squeeze %dma_start3A_388 : memref<1x100xi32, #tpu.memory_space<vmem>> -> memref<100xi32, #tpu.memory_space<vmem>>
        %dma_start3A_390 = arith.constant 0 : i32
        %dma_start3A_391 = arith.constant 0 : i32
        %dma_start3A_392 = tpu.memref_slice %arg7[%dma_start3A_390, %dma_start3A_391] : memref<120x128xf32, #tpu.memory_space<vmem_shared>> -> memref<120x128xf32, #tpu.memory_space<vmem_shared>>
        tpu.enqueue_indirect_dma source(%dma_start3A_392 : memref<120x128xf32, #tpu.memory_space<vmem_shared>>) target(%arg13 : memref<100x128xf32, #tpu.memory_space<vmem>>) offsets(%dma_start3A_389 : memref<100xi32, #tpu.memory_space<vmem>>) semaphore(%arg21 : memref<!tpu.dma_semaphore, #tpu.memory_space<semaphore_mem>>)
      } else {
      }
      %dma_wait3A_331 = arith.constant 0 : i32
      %dma_wait3A_332 = tpu.memref_slice %arg5[%add3A_323, %dma_wait3A_331] : memref<128x100xi32, #tpu.memory_space<vmem>> -> memref<1x100xi32, #tpu.memory_space<vmem>>
      %dma_wait3A_333 = tpu.memref_squeeze %dma_wait3A_332 : memref<1x100xi32, #tpu.memory_space<vmem>> -> memref<100xi32, #tpu.memory_space<vmem>>
      %dma_wait3A_334 = arith.constant 0 : i32
      %dma_wait3A_335 = arith.constant 0 : i32
      %dma_wait3A_336 = tpu.memref_slice %arg6[%dma_wait3A_334, %dma_wait3A_335] : memref<120x128xf32, #tpu.memory_space<vmem_shared>> -> memref<120x128xf32, #tpu.memory_space<vmem_shared>>
      tpu.wait_indirect_dma semaphore(%arg19 : memref<!tpu.dma_semaphore, #tpu.memory_space<semaphore_mem>>) src(%dma_wait3A_336 : memref<120x128xf32, #tpu.memory_space<vmem_shared>>) dst(%arg11 : memref<100x128xf32, #tpu.memory_space<vmem>>)
      %add3A_337 = arith.addi %mul3A_2, %add3A_323 : i32
      %dma_start3A_338 = arith.constant 0 : i32
      %dma_start3A_339 = arith.constant 0 : i32
      %dma_start3A_340 = tpu.memref_slice %arg4[%add3A_337, %dma_start3A_338, %dma_start3A_339] : memref<4096x100x256xf32, #tpu.memory_space<hbm>> -> memref<1x100x256xf32, #tpu.memory_space<hbm>>
      %dma_start3A_341 = tpu.memref_squeeze %dma_start3A_340 : memref<1x100x256xf32, #tpu.memory_space<hbm>> -> memref<100x256xf32, #tpu.memory_space<hbm>>
      %dma_start3A_342 = arith.constant 0 : i32
      %dma_start3A_343 = arith.constant 0 : i32
      %dma_start3A_344 = tpu.memref_slice %dma_start3A_341[%dma_start3A_342, %dma_start3A_343] : memref<100x256xf32, #tpu.memory_space<hbm>> -> memref<100x128xf32, #tpu.memory_space<hbm>>
      %dma_start3A_345 = arith.constant 0 : i32
      %dma_start3A_346 = arith.constant 0 : i32
      %dma_start3A_347 = tpu.memref_slice %arg4[%add3A_337, %dma_start3A_345, %dma_start3A_346] : memref<4096x100x256xf32, #tpu.memory_space<hbm>> -> memref<1x100x256xf32, #tpu.memory_space<hbm>>
      %dma_start3A_348 = tpu.memref_squeeze %dma_start3A_347 : memref<1x100x256xf32, #tpu.memory_space<hbm>> -> memref<100x256xf32, #tpu.memory_space<hbm>>
      %dma_start3A_349 = arith.constant 0 : i32
      %dma_start3A_350 = arith.constant 0 : i32
      %dma_start3A_351 = tpu.memref_slice %dma_start3A_348[%dma_start3A_349, %dma_start3A_350] : memref<100x256xf32, #tpu.memory_space<hbm>> -> memref<100x128xf32, #tpu.memory_space<hbm>>
      tpu.enqueue_dma source(%arg11 : memref<100x128xf32, #tpu.memory_space<vmem>>) target(%dma_start3A_351 : memref<100x128xf32, #tpu.memory_space<hbm>>) target_semaphore(%arg27 : memref<!tpu.dma_semaphore, #tpu.memory_space<semaphore_mem>>)
      %dma_wait3A_352 = arith.constant 0 : i32
      %dma_wait3A_353 = tpu.memref_slice %arg5[%add3A_323, %dma_wait3A_352] : memref<128x100xi32, #tpu.memory_space<vmem>> -> memref<1x100xi32, #tpu.memory_space<vmem>>
      %dma_wait3A_354 = tpu.memref_squeeze %dma_wait3A_353 : memref<1x100xi32, #tpu.memory_space<vmem>> -> memref<100xi32, #tpu.memory_space<vmem>>
      %dma_wait3A_355 = arith.constant 0 : i32
      %dma_wait3A_356 = arith.constant 0 : i32
      %dma_wait3A_357 = tpu.memref_slice %arg7[%dma_wait3A_355, %dma_wait3A_356] : memref<120x128xf32, #tpu.memory_space<vmem_shared>> -> memref<120x128xf32, #tpu.memory_space<vmem_shared>>
      tpu.wait_indirect_dma semaphore(%arg23 : memref<!tpu.dma_semaphore, #tpu.memory_space<semaphore_mem>>) src(%dma_wait3A_357 : memref<120x128xf32, #tpu.memory_space<vmem_shared>>) dst(%arg15 : memref<100x128xf32, #tpu.memory_space<vmem>>)
      %add3A_358 = arith.addi %mul3A_2, %add3A_323 : i32
      %dma_start3A_359 = arith.constant 0 : i32
      %dma_start3A_360 = arith.constant 0 : i32
      %dma_start3A_361 = tpu.memref_slice %arg4[%add3A_358, %dma_start3A_359, %dma_start3A_360] : memref<4096x100x256xf32, #tpu.memory_space<hbm>> -> memref<1x100x256xf32, #tpu.memory_space<hbm>>
      %dma_start3A_362 = tpu.memref_squeeze %dma_start3A_361 : memref<1x100x256xf32, #tpu.memory_space<hbm>> -> memref<100x256xf32, #tpu.memory_space<hbm>>
      %dma_start3A_363 = arith.constant 0 : i32
      %dma_start3A_364 = arith.constant 128 : i32
      %dma_start3A_365 = tpu.memref_slice %dma_start3A_362[%dma_start3A_363, %dma_start3A_364] : memref<100x256xf32, #tpu.memory_space<hbm>> -> memref<100x128xf32, #tpu.memory_space<hbm>>
      %dma_start3A_366 = arith.constant 0 : i32
      %dma_start3A_367 = arith.constant 0 : i32
      %dma_start3A_368 = tpu.memref_slice %arg4[%add3A_358, %dma_start3A_366, %dma_start3A_367] : memref<4096x100x256xf32, #tpu.memory_space<hbm>> -> memref<1x100x256xf32, #tpu.memory_space<hbm>>
      %dma_start3A_369 = tpu.memref_squeeze %dma_start3A_368 : memref<1x100x256xf32, #tpu.memory_space<hbm>> -> memref<100x256xf32, #tpu.memory_space<hbm>>
      %dma_start3A_370 = arith.constant 0 : i32
      %dma_start3A_371 = arith.constant 128 : i32
      %dma_start3A_372 = tpu.memref_slice %dma_start3A_369[%dma_start3A_370, %dma_start3A_371] : memref<100x256xf32, #tpu.memory_space<hbm>> -> memref<100x128xf32, #tpu.memory_space<hbm>>
      tpu.enqueue_dma source(%arg15 : memref<100x128xf32, #tpu.memory_space<vmem>>) target(%dma_start3A_372 : memref<100x128xf32, #tpu.memory_space<hbm>>) target_semaphore(%arg31 : memref<!tpu.dma_semaphore, #tpu.memory_space<semaphore_mem>>)
    }
    %scan3A_41 = arith.constant 32 : i32
    %dma_wait3A = arith.constant 0 : i32
    %dma_wait3A_42 = arith.constant 0 : i32
    %dma_wait3A_43 = arith.constant 0 : i32
    %dma_wait3A_44 = tpu.memref_slice %arg4[%dma_wait3A, %dma_wait3A_42, %dma_wait3A_43] : memref<4096x100x256xf32, #tpu.memory_space<hbm>> -> memref<1x100x256xf32, #tpu.memory_space<hbm>>
    %dma_wait3A_45 = tpu.memref_squeeze %dma_wait3A_44 : memref<1x100x256xf32, #tpu.memory_space<hbm>> -> memref<100x256xf32, #tpu.memory_space<hbm>>
    %dma_wait3A_46 = arith.constant 0 : i32
    %dma_wait3A_47 = arith.constant 0 : i32
    %dma_wait3A_48 = tpu.memref_slice %dma_wait3A_45[%dma_wait3A_46, %dma_wait3A_47] : memref<100x256xf32, #tpu.memory_space<hbm>> -> memref<100x128xf32, #tpu.memory_space<hbm>>
    %dma_wait3A_49 = arith.constant 0 : i32
    %dma_wait3A_50 = arith.constant 0 : i32
    %dma_wait3A_51 = tpu.memref_slice %arg4[%dma_wait3A, %dma_wait3A_49, %dma_wait3A_50] : memref<4096x100x256xf32, #tpu.memory_space<hbm>> -> memref<1x100x256xf32, #tpu.memory_space<hbm>>
    %dma_wait3A_52 = tpu.memref_squeeze %dma_wait3A_51 : memref<1x100x256xf32, #tpu.memory_space<hbm>> -> memref<100x256xf32, #tpu.memory_space<hbm>>
    %dma_wait3A_53 = arith.constant 0 : i32
    %dma_wait3A_54 = arith.constant 0 : i32
    %dma_wait3A_55 = tpu.memref_slice %dma_wait3A_52[%dma_wait3A_53, %dma_wait3A_54] : memref<100x256xf32, #tpu.memory_space<hbm>> -> memref<100x128xf32, #tpu.memory_space<hbm>>
    tpu.wait_dma2 semaphore(%arg24 : memref<!tpu.dma_semaphore, #tpu.memory_space<semaphore_mem>>) src(%arg8 : memref<100x128xf32, #tpu.memory_space<vmem>>) dst(%dma_wait3A_55 : memref<100x128xf32, #tpu.memory_space<hbm>>)
    %dma_wait3A_56 = arith.constant 0 : i32
    %dma_wait3A_57 = arith.constant 0 : i32
    %dma_wait3A_58 = arith.constant 0 : i32
    %dma_wait3A_59 = tpu.memref_slice %arg4[%dma_wait3A_56, %dma_wait3A_57, %dma_wait3A_58] : memref<4096x100x256xf32, #tpu.memory_space<hbm>> -> memref<1x100x256xf32, #tpu.memory_space<hbm>>
    %dma_wait3A_60 = tpu.memref_squeeze %dma_wait3A_59 : memref<1x100x256xf32, #tpu.memory_space<hbm>> -> memref<100x256xf32, #tpu.memory_space<hbm>>
    %dma_wait3A_61 = arith.constant 0 : i32
    %dma_wait3A_62 = arith.constant 128 : i32
    %dma_wait3A_63 = tpu.memref_slice %dma_wait3A_60[%dma_wait3A_61, %dma_wait3A_62] : memref<100x256xf32, #tpu.memory_space<hbm>> -> memref<100x128xf32, #tpu.memory_space<hbm>>
    %dma_wait3A_64 = arith.constant 0 : i32
    %dma_wait3A_65 = arith.constant 0 : i32
    %dma_wait3A_66 = tpu.memref_slice %arg4[%dma_wait3A_56, %dma_wait3A_64, %dma_wait3A_65] : memref<4096x100x256xf32, #tpu.memory_space<hbm>> -> memref<1x100x256xf32, #tpu.memory_space<hbm>>
    %dma_wait3A_67 = tpu.memref_squeeze %dma_wait3A_66 : memref<1x100x256xf32, #tpu.memory_space<hbm>> -> memref<100x256xf32, #tpu.memory_space<hbm>>
    %dma_wait3A_68 = arith.constant 0 : i32
    %dma_wait3A_69 = arith.constant 128 : i32
    %dma_wait3A_70 = tpu.memref_slice %dma_wait3A_67[%dma_wait3A_68, %dma_wait3A_69] : memref<100x256xf32, #tpu.memory_space<hbm>> -> memref<100x128xf32, #tpu.memory_space<hbm>>
    tpu.wait_dma2 semaphore(%arg28 : memref<!tpu.dma_semaphore, #tpu.memory_space<semaphore_mem>>) src(%arg12 : memref<100x128xf32, #tpu.memory_space<vmem>>) dst(%dma_wait3A_70 : memref<100x128xf32, #tpu.memory_space<hbm>>)
    %dma_wait3A_71 = arith.constant 0 : i32
    %dma_wait3A_72 = arith.constant 0 : i32
    %dma_wait3A_73 = arith.constant 0 : i32
    %dma_wait3A_74 = tpu.memref_slice %arg4[%dma_wait3A_71, %dma_wait3A_72, %dma_wait3A_73] : memref<4096x100x256xf32, #tpu.memory_space<hbm>> -> memref<1x100x256xf32, #tpu.memory_space<hbm>>
    %dma_wait3A_75 = tpu.memref_squeeze %dma_wait3A_74 : memref<1x100x256xf32, #tpu.memory_space<hbm>> -> memref<100x256xf32, #tpu.memory_space<hbm>>
    %dma_wait3A_76 = arith.constant 0 : i32
    %dma_wait3A_77 = arith.constant 0 : i32
    %dma_wait3A_78 = tpu.memref_slice %dma_wait3A_75[%dma_wait3A_76, %dma_wait3A_77] : memref<100x256xf32, #tpu.memory_space<hbm>> -> memref<100x128xf32, #tpu.memory_space<hbm>>
    %dma_wait3A_79 = arith.constant 0 : i32
    %dma_wait3A_80 = arith.constant 0 : i32
    %dma_wait3A_81 = tpu.memref_slice %arg4[%dma_wait3A_71, %dma_wait3A_79, %dma_wait3A_80] : memref<4096x100x256xf32, #tpu.memory_space<hbm>> -> memref<1x100x256xf32, #tpu.memory_space<hbm>>
    %dma_wait3A_82 = tpu.memref_squeeze %dma_wait3A_81 : memref<1x100x256xf32, #tpu.memory_space<hbm>> -> memref<100x256xf32, #tpu.memory_space<hbm>>
    %dma_wait3A_83 = arith.constant 0 : i32
    %dma_wait3A_84 = arith.constant 0 : i32
    %dma_wait3A_85 = tpu.memref_slice %dma_wait3A_82[%dma_wait3A_83, %dma_wait3A_84] : memref<100x256xf32, #tpu.memory_space<hbm>> -> memref<100x128xf32, #tpu.memory_space<hbm>>
    tpu.wait_dma2 semaphore(%arg25 : memref<!tpu.dma_semaphore, #tpu.memory_space<semaphore_mem>>) src(%arg9 : memref<100x128xf32, #tpu.memory_space<vmem>>) dst(%dma_wait3A_85 : memref<100x128xf32, #tpu.memory_space<hbm>>)
    %dma_wait3A_86 = arith.constant 0 : i32
    %dma_wait3A_87 = arith.constant 0 : i32
    %dma_wait3A_88 = arith.constant 0 : i32
    %dma_wait3A_89 = tpu.memref_slice %arg4[%dma_wait3A_86, %dma_wait3A_87, %dma_wait3A_88] : memref<4096x100x256xf32, #tpu.memory_space<hbm>> -> memref<1x100x256xf32, #tpu.memory_space<hbm>>
    %dma_wait3A_90 = tpu.memref_squeeze %dma_wait3A_89 : memref<1x100x256xf32, #tpu.memory_space<hbm>> -> memref<100x256xf32, #tpu.memory_space<hbm>>
    %dma_wait3A_91 = arith.constant 0 : i32
    %dma_wait3A_92 = arith.constant 128 : i32
    %dma_wait3A_93 = tpu.memref_slice %dma_wait3A_90[%dma_wait3A_91, %dma_wait3A_92] : memref<100x256xf32, #tpu.memory_space<hbm>> -> memref<100x128xf32, #tpu.memory_space<hbm>>
    %dma_wait3A_94 = arith.constant 0 : i32
    %dma_wait3A_95 = arith.constant 0 : i32
    %dma_wait3A_96 = tpu.memref_slice %arg4[%dma_wait3A_86, %dma_wait3A_94, %dma_wait3A_95] : memref<4096x100x256xf32, #tpu.memory_space<hbm>> -> memref<1x100x256xf32, #tpu.memory_space<hbm>>
    %dma_wait3A_97 = tpu.memref_squeeze %dma_wait3A_96 : memref<1x100x256xf32, #tpu.memory_space<hbm>> -> memref<100x256xf32, #tpu.memory_space<hbm>>
    %dma_wait3A_98 = arith.constant 0 : i32
    %dma_wait3A_99 = arith.constant 128 : i32
    %dma_wait3A_100 = tpu.memref_slice %dma_wait3A_97[%dma_wait3A_98, %dma_wait3A_99] : memref<100x256xf32, #tpu.memory_space<hbm>> -> memref<100x128xf32, #tpu.memory_space<hbm>>
    tpu.wait_dma2 semaphore(%arg29 : memref<!tpu.dma_semaphore, #tpu.memory_space<semaphore_mem>>) src(%arg13 : memref<100x128xf32, #tpu.memory_space<vmem>>) dst(%dma_wait3A_100 : memref<100x128xf32, #tpu.memory_space<hbm>>)
    %dma_wait3A_101 = arith.constant 0 : i32
    %dma_wait3A_102 = arith.constant 0 : i32
    %dma_wait3A_103 = arith.constant 0 : i32
    %dma_wait3A_104 = tpu.memref_slice %arg4[%dma_wait3A_101, %dma_wait3A_102, %dma_wait3A_103] : memref<4096x100x256xf32, #tpu.memory_space<hbm>> -> memref<1x100x256xf32, #tpu.memory_space<hbm>>
    %dma_wait3A_105 = tpu.memref_squeeze %dma_wait3A_104 : memref<1x100x256xf32, #tpu.memory_space<hbm>> -> memref<100x256xf32, #tpu.memory_space<hbm>>
    %dma_wait3A_106 = arith.constant 0 : i32
    %dma_wait3A_107 = arith.constant 0 : i32
    %dma_wait3A_108 = tpu.memref_slice %dma_wait3A_105[%dma_wait3A_106, %dma_wait3A_107] : memref<100x256xf32, #tpu.memory_space<hbm>> -> memref<100x128xf32, #tpu.memory_space<hbm>>
    %dma_wait3A_109 = arith.constant 0 : i32
    %dma_wait3A_110 = arith.constant 0 : i32
    %dma_wait3A_111 = tpu.memref_slice %arg4[%dma_wait3A_101, %dma_wait3A_109, %dma_wait3A_110] : memref<4096x100x256xf32, #tpu.memory_space<hbm>> -> memref<1x100x256xf32, #tpu.memory_space<hbm>>
    %dma_wait3A_112 = tpu.memref_squeeze %dma_wait3A_111 : memref<1x100x256xf32, #tpu.memory_space<hbm>> -> memref<100x256xf32, #tpu.memory_space<hbm>>
    %dma_wait3A_113 = arith.constant 0 : i32
    %dma_wait3A_114 = arith.constant 0 : i32
    %dma_wait3A_115 = tpu.memref_slice %dma_wait3A_112[%dma_wait3A_113, %dma_wait3A_114] : memref<100x256xf32, #tpu.memory_space<hbm>> -> memref<100x128xf32, #tpu.memory_space<hbm>>
    tpu.wait_dma2 semaphore(%arg26 : memref<!tpu.dma_semaphore, #tpu.memory_space<semaphore_mem>>) src(%arg10 : memref<100x128xf32, #tpu.memory_space<vmem>>) dst(%dma_wait3A_115 : memref<100x128xf32, #tpu.memory_space<hbm>>)
    %dma_wait3A_116 = arith.constant 0 : i32
    %dma_wait3A_117 = arith.constant 0 : i32
    %dma_wait3A_118 = arith.constant 0 : i32
    %dma_wait3A_119 = tpu.memref_slice %arg4[%dma_wait3A_116, %dma_wait3A_117, %dma_wait3A_118] : memref<4096x100x256xf32, #tpu.memory_space<hbm>> -> memref<1x100x256xf32, #tpu.memory_space<hbm>>
    %dma_wait3A_120 = tpu.memref_squeeze %dma_wait3A_119 : memref<1x100x256xf32, #tpu.memory_space<hbm>> -> memref<100x256xf32, #tpu.memory_space<hbm>>
    %dma_wait3A_121 = arith.constant 0 : i32
    %dma_wait3A_122 = arith.constant 128 : i32
    %dma_wait3A_123 = tpu.memref_slice %dma_wait3A_120[%dma_wait3A_121, %dma_wait3A_122] : memref<100x256xf32, #tpu.memory_space<hbm>> -> memref<100x128xf32, #tpu.memory_space<hbm>>
    %dma_wait3A_124 = arith.constant 0 : i32
    %dma_wait3A_125 = arith.constant 0 : i32
    %dma_wait3A_126 = tpu.memref_slice %arg4[%dma_wait3A_116, %dma_wait3A_124, %dma_wait3A_125] : memref<4096x100x256xf32, #tpu.memory_space<hbm>> -> memref<1x100x256xf32, #tpu.memory_space<hbm>>
    %dma_wait3A_127 = tpu.memref_squeeze %dma_wait3A_126 : memref<1x100x256xf32, #tpu.memory_space<hbm>> -> memref<100x256xf32, #tpu.memory_space<hbm>>
    %dma_wait3A_128 = arith.constant 0 : i32
    %dma_wait3A_129 = arith.constant 128 : i32
    %dma_wait3A_130 = tpu.memref_slice %dma_wait3A_127[%dma_wait3A_128, %dma_wait3A_129] : memref<100x256xf32, #tpu.memory_space<hbm>> -> memref<100x128xf32, #tpu.memory_space<hbm>>
    tpu.wait_dma2 semaphore(%arg30 : memref<!tpu.dma_semaphore, #tpu.memory_space<semaphore_mem>>) src(%arg14 : memref<100x128xf32, #tpu.memory_space<vmem>>) dst(%dma_wait3A_130 : memref<100x128xf32, #tpu.memory_space<hbm>>)
    %dma_wait3A_131 = arith.constant 0 : i32
    %dma_wait3A_132 = arith.constant 0 : i32
    %dma_wait3A_133 = arith.constant 0 : i32
    %dma_wait3A_134 = tpu.memref_slice %arg4[%dma_wait3A_131, %dma_wait3A_132, %dma_wait3A_133] : memref<4096x100x256xf32, #tpu.memory_space<hbm>> -> memref<1x100x256xf32, #tpu.memory_space<hbm>>
    %dma_wait3A_135 = tpu.memref_squeeze %dma_wait3A_134 : memref<1x100x256xf32, #tpu.memory_space<hbm>> -> memref<100x256xf32, #tpu.memory_space<hbm>>
    %dma_wait3A_136 = arith.constant 0 : i32
    %dma_wait3A_137 = arith.constant 0 : i32
    %dma_wait3A_138 = tpu.memref_slice %dma_wait3A_135[%dma_wait3A_136, %dma_wait3A_137] : memref<100x256xf32, #tpu.memory_space<hbm>> -> memref<100x128xf32, #tpu.memory_space<hbm>>
    %dma_wait3A_139 = arith.constant 0 : i32
    %dma_wait3A_140 = arith.constant 0 : i32
    %dma_wait3A_141 = tpu.memref_slice %arg4[%dma_wait3A_131, %dma_wait3A_139, %dma_wait3A_140] : memref<4096x100x256xf32, #tpu.memory_space<hbm>> -> memref<1x100x256xf32, #tpu.memory_space<hbm>>
    %dma_wait3A_142 = tpu.memref_squeeze %dma_wait3A_141 : memref<1x100x256xf32, #tpu.memory_space<hbm>> -> memref<100x256xf32, #tpu.memory_space<hbm>>
    %dma_wait3A_143 = arith.constant 0 : i32
    %dma_wait3A_144 = arith.constant 0 : i32
    %dma_wait3A_145 = tpu.memref_slice %dma_wait3A_142[%dma_wait3A_143, %dma_wait3A_144] : memref<100x256xf32, #tpu.memory_space<hbm>> -> memref<100x128xf32, #tpu.memory_space<hbm>>
    tpu.wait_dma2 semaphore(%arg27 : memref<!tpu.dma_semaphore, #tpu.memory_space<semaphore_mem>>) src(%arg11 : memref<100x128xf32, #tpu.memory_space<vmem>>) dst(%dma_wait3A_145 : memref<100x128xf32, #tpu.memory_space<hbm>>)
    %dma_wait3A_146 = arith.constant 0 : i32
    %dma_wait3A_147 = arith.constant 0 : i32
    %dma_wait3A_148 = arith.constant 0 : i32
    %dma_wait3A_149 = tpu.memref_slice %arg4[%dma_wait3A_146, %dma_wait3A_147, %dma_wait3A_148] : memref<4096x100x256xf32, #tpu.memory_space<hbm>> -> memref<1x100x256xf32, #tpu.memory_space<hbm>>
    %dma_wait3A_150 = tpu.memref_squeeze %dma_wait3A_149 : memref<1x100x256xf32, #tpu.memory_space<hbm>> -> memref<100x256xf32, #tpu.memory_space<hbm>>
    %dma_wait3A_151 = arith.constant 0 : i32
    %dma_wait3A_152 = arith.constant 128 : i32
    %dma_wait3A_153 = tpu.memref_slice %dma_wait3A_150[%dma_wait3A_151, %dma_wait3A_152] : memref<100x256xf32, #tpu.memory_space<hbm>> -> memref<100x128xf32, #tpu.memory_space<hbm>>
    %dma_wait3A_154 = arith.constant 0 : i32
    %dma_wait3A_155 = arith.constant 0 : i32
    %dma_wait3A_156 = tpu.memref_slice %arg4[%dma_wait3A_146, %dma_wait3A_154, %dma_wait3A_155] : memref<4096x100x256xf32, #tpu.memory_space<hbm>> -> memref<1x100x256xf32, #tpu.memory_space<hbm>>
    %dma_wait3A_157 = tpu.memref_squeeze %dma_wait3A_156 : memref<1x100x256xf32, #tpu.memory_space<hbm>> -> memref<100x256xf32, #tpu.memory_space<hbm>>
    %dma_wait3A_158 = arith.constant 0 : i32
    %dma_wait3A_159 = arith.constant 128 : i32
    %dma_wait3A_160 = tpu.memref_slice %dma_wait3A_157[%dma_wait3A_158, %dma_wait3A_159] : memref<100x256xf32, #tpu.memory_space<hbm>> -> memref<100x128xf32, #tpu.memory_space<hbm>>
    tpu.wait_dma2 semaphore(%arg31 : memref<!tpu.dma_semaphore, #tpu.memory_space<semaphore_mem>>) src(%arg15 : memref<100x128xf32, #tpu.memory_space<vmem>>) dst(%dma_wait3A_160 : memref<100x128xf32, #tpu.memory_space<hbm>>)
    return
  }
}

</mosaic_0001>

<sc_bundles>
// kernel: kernel.3.cloned.1.call-start
scs
__scs_entry_jumppad:
0x0: {  	(pc) =	sbr.rel $0x88, $3  }
0x1: {  	(tag) =	ssettag $0x0;
	lr =	simm.s32 $0x1  }
0x2: {  	[smem:$0x3F9F] =	sst lr;
	_ =	strace $0xD0000000  }
0x3: {  	_ = 	snop  }
0x4: {  	_ = 	snop  }
0x5: {  	_ = 	snop  }
0x6: {  	_ = 	snop  }
0x7: {  	_ = 	snop  }
__scs_overlays_trampoline_lowered:
0x8: {  	[smem:$0x3FAE] =	sst s0  }
0x9: {  	[smem:$0x3FAF] =	sst s1  }
0xa: {  	[smem:$0x3FB0] =	sst s2  }
0xb: {  	[smem:$0x3FB1] =	sst s3  }
0xc: {  	[smem:$0x3FB2] =	sst s4  }
0xd: {  	[smem:$0x3FB3] =	sst s5  }
0xe: {  	[smem:$0x3FB4] =	sst s6  }
0xf: {  	[smem:$0x3FB5] =	sst s7  }
0x10: {  	[smem:$0x3FB6] =	sst s8  }
0x11: {  	[smem:$0x3FB7] =	sst s9;
	s0 =	simm.s32 @!p0 $0x0  }
0x12: {  	s1 =	sld [smem:$0x3F9D];
	s0 =	simm.s32 @p0 $0x1  }
0x13: {  	[smem:$0x3FB8] =	sst s0;
	s0 =	simm.s32 @!p1 $0x0  }
0x14: {  	s2 =	sld [smem:$0x3F9C];
	s0 =	simm.s32 @p1 $0x1  }
0x15: {  	[smem:$0x3FB9] =	sst s0;
	s0 =	simm.s32 @!p2 $0x0  }
0x16: {  	s3 =	sld [smem:$0x3FDB];
	s0 =	simm.s32 @p2 $0x1  }
0x17: {  	s4 =	simm.s32 $0x1BF5;
	[smem:$0x3FBB] =	sst s0  }
0x18: {  	s0 =	sld [smem:$0x3F9E];
	_ =	swait.ge [sflag:s4], $0x0  }
0x19: {  	s7 =	sld [smem:$0x3F9F]  }
0x1a: {  	s8 =	sadd.s32 $0xFFFFE003, lr  }
0x1b: {  	s9 =	sadd.s32 $0xFFFFFEF7, lr;
	s5 =	simm.s32 $0xFFFFFFFF;
	p2 =	slt.u32 s8, $0xFFFFF086  }
0x1c: {  	p1 =	slt.u32 s9, $0xF7A;
	s5 =	simm.s32 @!p2 $0x0  }
0x1d: {  	s5 =	simm.s32 @p1 $0x1;
	p0 =	seq.s32 s7, s2  }
0x1e: {  	s7 =	smul.u32 @!p0 $0xF7A, s2;
	p2 =	seq.s32 @!p0 s5, $0x0  }
0x1f: {  	s9 =	smul.u32 $0xF7A, s1;
	s8 =	simm.s32 @!p0 $0x1BF5;
	p2 =	por !p2, p0  }
0x20: {  	[sflag:s8] =	ssyncset.s32 @!p0 $0xFFFFF086;
	s6 =	sadd.s32 @!p0 s3, s7;
	s7 =	simm.s32 @!p0 $0x108  }
0x21: {  	s3 =	sadd.s32 s3, s9;
	s6 =	sadd.s32 @!p0 $0x88, s6;
	s7 =	simm.s32 @p2 $0x1082  }
0x22: {  	[simem:s7], [sflag:s8] =	dma.local @!p0 [hbm:s6], $0xF7A  }
0x23: {  	s9 =	sor.u32 $0xD0000000, s2;
	s6 =	simm.s32 $0x108;
	_ =	swait.ge @!p0 [sflag:s8], $0x0  }
0x24: {  	s3 =	sadd.s32 $0x88, s3;
	s6 =	simm.s32 @!p1 $0x1082;
	[sflag:s4] =	ssyncset.s32 $0xFFFFF086  }
0x25: {  	[simem:s6], [sflag:s4] =	dma.local [hbm:s3], $0xF7A  }
0x26: {  	[smem:$0x3F9F] =	sst s1;
	(tag) =	ssettag s2;
	_ =	strace s9  }
0x27: {  	s1 =	sld [smem:$0x3FAF]  }
0x28: {  	s2 =	sld [smem:$0x3FB0]  }
0x29: {  	s4 =	sld [smem:$0x3FB2]  }
0x2a: {  	p0 =	seq.s32 s5, $0x0;
	s5 =	sld [smem:$0x3FB3]  }
0x2b: {  	s6 =	sld [smem:$0x3FB4]  }
0x2c: {  	s7 =	sld [smem:$0x3FB5]  }
0x2d: {  	s3 =	simm.s32 $0x108;
	s8 =	sld [smem:$0x3FB6]  }
0x2e: {  	s3 =	simm.s32 @!p0 $0x1082;
	s9 =	sld [smem:$0x3FB7]  }
0x2f: {  	lr =	sadd.s32 s0, s3;
	s0 =	sld [smem:$0x3FAE]  }
0x30: {  	s3 =	sld [smem:$0x3FB1]  }
0x31: {  	[smem:$0x3FBA] =	sst s10  }
0x32: {  	s10 =	sld [smem:$0x3FB8];
	_ =	sdelay $0x3  }
0x33: {  	p0 =	seq.s32 s10, $0x1;
	s10 =	sld [smem:$0x3FBA];
	_ =	sdelay $0x3  }
0x34: {  	[smem:$0x3FBA] =	sst s10  }
0x35: {  	s10 =	sld [smem:$0x3FB9];
	_ =	sdelay $0x3  }
0x36: {  	p1 =	seq.s32 s10, $0x1;
	s10 =	sld [smem:$0x3FBA];
	_ =	sdelay $0x3  }
0x37: {  	[smem:$0x3FBA] =	sst s10  }
0x38: {  	s10 =	sld [smem:$0x3FBB]  }
0x39: {  	_ = 	snop;
	(pc) =	sbr.ind lr, $3  }
0x3a: {  	_ = 	snop  }
0x3b: {  	_ = 	snop  }
0x3c: {  	p2 =	seq.s32 s10, $0x1;
	s10 =	sld [smem:$0x3FBA]  }
0x3d: {  	_ =	shalt  }
0x3e: {  	_ =	shalt  }
0x3f: {  	_ =	shalt  }
0x40: {  	_ =	shalt  }
0x41: {  	_ =	shalt  }
0x42: {  	_ =	shalt  }
0x43: {  	_ =	shalt  }
0x44: {  	_ =	shalt  }
0x45: {  	_ =	shalt  }
0x46: {  	_ =	shalt  }
0x47: {  	_ =	shalt  }
0x48: {  	_ =	shalt  }
0x49: {  	_ =	shalt  }
0x4a: {  	_ =	shalt  }
0x4b: {  	_ =	shalt  }
0x4c: {  	_ =	shalt  }
0x4d: {  	_ =	shalt  }
0x4e: {  	_ =	shalt  }
0x4f: {  	_ =	shalt  }
0x50: {  	_ =	shalt  }
0x51: {  	_ =	shalt  }
0x52: {  	_ =	shalt  }
0x53: {  	_ =	shalt  }
0x54: {  	_ =	shalt  }
0x55: {  	_ =	shalt  }
0x56: {  	_ =	shalt  }
0x57: {  	_ =	shalt  }
0x58: {  	_ =	shalt  }
0x59: {  	_ =	shalt  }
0x5a: {  	_ =	shalt  }
0x5b: {  	_ =	shalt  }
0x5c: {  	_ =	shalt  }
0x5d: {  	_ =	shalt  }
0x5e: {  	_ =	shalt  }
0x5f: {  	_ =	shalt  }
0x60: {  	_ =	shalt  }
0x61: {  	_ =	shalt  }
0x62: {  	_ =	shalt  }
0x63: {  	_ =	shalt  }
0x64: {  	_ =	shalt  }
0x65: {  	_ =	shalt  }
0x66: {  	_ =	shalt  }
0x67: {  	_ =	shalt  }
0x68: {  	_ =	shalt  }
0x69: {  	_ =	shalt  }
0x6a: {  	_ =	shalt  }
0x6b: {  	_ =	shalt  }
0x6c: {  	_ =	shalt  }
0x6d: {  	_ =	shalt  }
0x6e: {  	_ =	shalt  }
0x6f: {  	_ =	shalt  }
0x70: {  	_ =	shalt  }
0x71: {  	_ =	shalt  }
0x72: {  	_ =	shalt  }
0x73: {  	_ =	shalt  }
0x74: {  	_ =	shalt  }
0x75: {  	_ =	shalt  }
0x76: {  	_ =	shalt  }
0x77: {  	_ =	shalt  }
0x78: {  	_ =	shalt  }
0x79: {  	_ =	shalt  }
0x7a: {  	_ =	shalt  }
0x7b: {  	_ =	shalt  }
0x7c: {  	_ =	shalt  }
0x7d: {  	_ =	shalt  }
0x7e: {  	_ =	shalt  }
0x7f: {  	_ =	shalt  }
0x80: {  	_ =	shalt  }
0x81: {  	_ =	shalt  }
0x82: {  	_ =	shalt  }
0x83: {  	_ =	shalt  }
0x84: {  	_ =	shalt  }
0x85: {  	_ =	shalt  }
0x86: {  	_ =	shalt  }
0x87: {  	_ =	shalt  }
.Lfunc_end0:
.L_simem_size_0:
called_computation.1_lowered:
.L_overlay_start_0:
0x88: {  	s2 =	sld [smem:$0x3FD9]  }
0x89: {  	s3 =	sld [smem:$0x3FFE];
	_ =	sdelay $0x1  }
0x8a: {  	s1 =	srdreg.scid  }
0x8b: {  	s0 =	sand.u32 $0x1, s1  }
0x8c: {  	s17 =	sshll.u32 s0, $0xA;
	s2 =	sadd.s32 s3, s2  }
0x8d: {  	s2 =	sadd.s32 s2, s17  }
0x8e: {  	[smem:$0x3FC6] =	sst s2  }
0x8f: {  	_ = 	snop  }
0x90: {  	s2 =	sld [smem:$0x3FD0];
	(tm) =	ssettm $0x1  }
0x91: {  	s18 =	sld [smem:$0x3FFB];
	_ =	sdelay $0x3  }
0x92: {  	_ =	strace s18  }
0x93: {  	s3 =	sld [smem:$0x3FFC];
	_ =	sdelay $0x3  }
0x94: {  	_ =	strace s3  }
0x95: {  	s3 =	sld [smem:$0x3FFD];
	_ =	sdelay $0x3  }
0x96: {  	_ =	strace s3  }
0x97: {  	_ =	strace $0x8FFFFFFF  }
0x98: {  	s19 =	sld [smem:$0x3FDB];
	_ =	sdelay $0x1  }
0x99: {  	s4 =	simm.s32 $_scs_section_size  }
0x9a: {  	s5 =	simm.s32 $_size__tile_overlayer_lowered;
	s6 =	simm.s32 $_tile_overlayer_lowered  }
0x9b: {  	s22 =	simm.s32 $0x1BFF;
	s21 =	sshll.u32 s6, $0x1;
	s3 =	sadd.s32 s4, s19  }
0x9c: {  	s7 =	simm.s32 $0x0;
	s20 =	sshll.u32 s5, $0x1;
	s5 =	sadd.s32 s21, s3  }
0x9d: {  	[timem:s7], [sflag:s22] =	dma.local [hbm:s5], s20  }
0x9e: {  	_ =	swait.ge [sflag:s22], s20  }
0x9f: {  	s4 =	ssub.s32 $0x0, s20;
	[sflag:s22] =	ssyncset.done $0x0  }
0xa0: {  	[sflag:s22] =	ssyncadd.s32 s4;
	_ =	sdelay $0x1  }
0xa1: {  	s23 =	simm.s32 $0x1B8B  }
0xa2: {  	_ =	swait.ge [sflag:s23], $0x1  }
0xa3: {  	[sflag:s23] =	ssyncset.done $0x0  }
0xa4: {  	s25 =	simm.s32 $0x1B8E;
	s24 =	sld [smem:$0x3FFE];
	[sflag:s23] =	ssyncadd.s32 $0xFFFFFFFF  }
0xa5: {  	s26 =	simm.s32 $execute0_lowered;
	[smem:$0x3FD2] =	sst s25  }
0xa6: {  	s5 =	sshll.u32 s26, $0x1;
	_ =	strace $0x80000046;
	[dreg:$0x1] =	wrdreg $0xFFFFFFFF  }
0xa7: {  	s28 =	simm.s32 $_size_execute0_lowered;
	s3 =	sadd.s32 s3, s5;
	[dreg:$0x0] =	wrdreg $0x0  }
0xa8: {  	s5 =	sshll.u32 s28, $0x1;
	[dreg:$0x2] =	wrdreg s3  }
0xa9: {  	[dreg:$0x3] =	wrdreg s5  }
0xaa: {  	[dreg:$0x4] =	wrdreg $0xC0  }
0xab: {  	_ =	task [dreg:s7], $0x5FFFF  }
0xac: {  	[dreg:$0x1] =	wrdreg $0xFFFFFFFF  }
0xad: {  	[dreg:$0x0] =	wrdreg $0x60  }
0xae: {  	[dreg:$0x2] =	wrdreg s2  }
0xaf: {  	[dreg:$0x3] =	wrdreg s24  }
0xb0: {  	[dreg:$0x4] =	wrdreg $0x40000  }
0xb1: {  	[dreg:$0x5] =	wrdreg $0x43C00  }
0xb2: {  	[dreg:$0x6] =	wrdreg $0x9  }
0xb3: {  	_ =	task.clear_ibuf [dreg:s7], $0x7FFFF;
	_ =	strace $0x90000046  }
0xb4: {  	s29 =	simm.s32 $0x9;
	_ =	strace $0x80000048  }
0xb5: {  	_ =	swait.ge [sflag:s29], $0x1  }
0xb6: {  	[sflag:s29] =	ssyncadd.s32 $0xFFFFFFFF  }
0xb7: {  	_ =	strace $0x90000048  }
0xb8: {  	_ =	sfence  }
0xb9: {  	s30 =	sld [smem:$0x0];
	_ =	sdelay $0x2  }
0xba: {  	s31 =	sshll.u32 s1, $0xD;
	s1 =	sshrl.u32 s1, $0x2  }
0xbb: {  	s3 =	sand.u32 $0x4000, s31;
	s1 =	sadd.s32 s1, s30  }
0xbc: {  	s0 =	sor.u32 s3, s0;
	s1 =	sshll.u32 s1, $0x11  }
0xbd: {  	s0 =	sor.u32 s1, s0  }
0xbe: {  	s0 =	sadd.s32 $0x8F2B, s0  }
0xbf: {  	[sflag:s0] =	ssyncadd.remote.s32 $0x1  }
0xc0: {  	_ =	sfence.sel $0xFFFF  }
0xc1: {  	[dreg:$0x0] =	wrdreg $0xFFFFFFFF;
	(pc) =	sbr.abs _section_cstart, $3  }
0xc2: {  	[dreg:$0x1] =	wrdreg $0xFFFFFFFF  }
0xc3: {  	_ =	task.clear_ibuf [dreg:s7], $0x2FFFF;
	_ =	strace $0x9FFFFFFF  }
0xc4: {  	(tm) =	ssettm $0x7FFFFFFF  }
0xc5: {  	_ =	shalt  }
tec
execute0_lowered:
.L_overlay_start_1:
0x0: {  	(tag) =	ssettag $0x1  }
0x1: {  	s0 =	rddreg [dreg:$0x0]  }
0x2: {  	s4 =	rddreg [dreg:$0x1]  }
0x3: {  	s1 =	rddreg [dreg:$0x2]  }
0x4: {  	s2 =	rddreg [dreg:$0x3];
	s3 =	simm.s32 $0x0;
	s5 =	srdreg.scid  }
0x5: {  	s6 =	stileid.u32;
	s19 =	simm.s32 $0x7780;
	s20 =	simm.s32 $0x14780  }
0x6: {  	s21 =	simm.s32 $0xAB80;
	s22 =	simm.s32 $0x17B80;
	s23 =	simm.s32 $0xDF80  }
0x7: {  	s24 =	simm.s32 $0x1AF80;
	s25 =	simm.s32 $0x11380;
	s26 =	simm.s32 $0x1E380  }
0x8: {  	s28 =	simm.s32 $0x1B380;
	s29 =	simm.s32 $0x2;
	s30 =	simm.s32 $0x6  }
0x9: {  	s31 =	simm.s32 $0x3;
	[smem:$0x7FF] =	sst s3;
	s8 =	sadd.s32 $0x800, s4  }
0xa: {  	s18 =	sshrl.u32 s2, $0x3;
	_ =	strace $0x80000047;
	[dreg:$0xd] =	wrdreg s8  }
0xb: {  	s13 =	simm.s32 $0x4;
	s5 =	sand.u32 $0x1, s5;
	[dreg:$0x11] =	wrdreg s18  }
0xc: {  	s14 =	smul.u32 $0xD0000, s6;
	s10 =	sshll.u32 s6, $0xC;
	[dreg:$0x5] =	wrdreg s19  }
0xd: {  	p0 =	seq.s32 s6, $0x1;
	p1 =	sne.s32 s6, $0x0;
	[dreg:$0x6] =	wrdreg s20  }
0xe: {  	s6 =	simm.s32 $0x0;
	s7 =	ssub.s32 $0x2, s5;
	[dreg:$0x7] =	wrdreg s21  }
0xf: {  	s11 =	sshll.u32 s5, $0xB;
	s5 =	smul.u32 $0x68000, s5;
	[dreg:$0x8] =	wrdreg s22  }
0x10: {  	s18 =	simm.s32 $0x7B80;
	s19 =	simm.s32 $0x14B80;
	[dreg:$0x9] =	wrdreg s23  }
0x11: {  	s20 =	simm.s32 $0xAF80;
	s21 =	simm.s32 $0x17F80;
	[dreg:$0xa] =	wrdreg s24  }
0x12: {  	s22 =	simm.s32 $0x1;
	s23 =	simm.s32 $0x400;
	[dreg:$0xb] =	wrdreg s25  }
0x13: {  	[dreg:$0xc] =	wrdreg s26;
	s24 =	simm.s32 $0x800;
	s25 =	simm.s32 $0x5  }
0x14: {  	s26 =	simm.s32 $0xE380;
	s9 =	sshrl.u32 s7, $0x1;
	s8 =	sadd.s32 s14, s4  }
0x15: {  	s15 =	sor.u32 s11, s10;
	s4 =	sadd.s32 $0x880, s4;
	s10 =	simm.s32 $0x8  }
0x16: {  	s7 =	ssub.s32 s7, s9;
	[dreg:$0xe] =	wrdreg s4;
	s0 =	sadd.s32 s0, s15  }
0x17: {  	s16 =	sadd.s32 s5, s8;
	s15 =	simm.s32 $0x64;
	[dreg:$0xf] =	wrdreg s0  }
0x18: {  	s17 =	smax.u32 s7, $0x1;
	s8 =	sadd.s32 $0x1800, s16;
	s16 =	simm.s32 $0x4780  }
0x19: {  	s0 =	simm.s32 $0x7;
	[dreg:$0x10] =	wrdreg s17;
	s17 =	simm.s32 $0x11780  }
.LBB2_1:
.Ltmp0:
0x1a: {  	(pc) =	sbr.rel @p0 .LBB2_4-.Ltmp0, $2  }
0x1b: {  	_ =	sdelay $0x2  }
0x1c: {  	[dreg:$0x12] =	wrdreg s6  }
.Ltmp1:
0x1d: {  	(pc) =	sbr.rel @p1 .LBB2_6-.Ltmp1, $1  }
0x1e: {  	_ =	sdelay $0x3  }
.Ltmp2:
0x1f: {  	(pc) =	sbr.rel .LBB2_5-.Ltmp2, $4  }
0x20: {  	_ = 	snop  }
0x21: {  	s5 =	sshrl.u32 s1, $0x3;
	s4 =	rddreg [dreg:$0xd]  }
0x22: {  	s6 =	simm.s32 $0x80;
	s7 =	simm.s32 $0x100;
	s9 =	simm.s32 $0x1C11  }
0x23: {  	[spmem:s5@s6], [sflag:s9] =	dma.strided [hbm:s4@s7], $0x780, s10, $0x10   }
.LBB2_4:
0x24: {  	s4 =	rddreg [dreg:$0xe]  }
0x25: {  	s5 =	rddreg [dreg:$0x11]  }
0x26: {  	s6 =	simm.s32 $0x80;
	s7 =	simm.s32 $0x100;
	s9 =	simm.s32 $0x1C51  }
0x27: {  	[spmem:s5@s6], [sflag:s9] =	dma.strided [hbm:s4@s7], $0x780, s10, $0x10   }
.LBB2_5:
0x28: {  	s4 =	simm.s32 $0x11  }
0x29: {  	_ =	swait.ge [sflag:s4], $0x780  }
0x2a: {  	[sflag:s4] =	ssyncset.done $0x0  }
0x2b: {  	[sflag:s4] =	ssyncadd.s32 $0xFFFFF880  }
.LBB2_6:
0x2c: {  	s5 =	simm.s32 $0x0;
	s4 =	rddreg [dreg:$0xf];
	s6 =	simm.s32 $0x11  }
0x2d: {  	[tilespmem:s5], [sflag:$0x11] =	stream.linear.gather [hbm4b:s4+s5], $0x4000, $0x38;
	[tilespmem:$0x1E780] =	vst v63  }
0x2e: {  	_ =	swait.ge [sflag:s6], $0x4000  }
0x2f: {  	[sflag:s6] =	ssyncset.done $0x0  }
0x30: {  	[sflag:s6] =	ssyncadd.s32 $0xFFFFC000  }
0x31: {  	[bflag:$0x0] =	sbarrier.arrive $0xFFFF  }
0x32: {  	[tilespmem:s16], [sflag:$0x1] =	stream.indirect.gather [spmem:s1], $0x80, s5, s15, $0xb8;
	[tilespmem:$0x1E780] =	vst v63  }
0x33: {  	p2 =	por $0x1, $0x1  }
0x34: {  	[tilespmem:s17], [sflag:$0x5] =	stream.indirect.gather [spmem:s2], $0x80, s5, s15, $0xb8;
	[tilespmem:$0x1E780] =	vst v63  }
0x35: {  	s7 =	simm.s32 $0x80;
	p2 =	por p2, p2  }
0x36: {  	[tilespmem:s18], [sflag:$0x2] =	stream.indirect.gather [spmem:s1], $0x80, s7, s15, $0xb8;
	[tilespmem:$0x1E780] =	vst v63  }
0x37: {  	s5 =	simm.s32 @!p2 $0xB  }
0x38: {  	[tilespmem:s19], [sflag:$0x6] =	stream.indirect.gather [spmem:s2], $0x80, s7, s15, $0xb8;
	[tilespmem:$0x1E780] =	vst v63  }
0x39: {  	_ =	swait.ge @!p2 [sflag:s5], $0x3200  }
0x3a: {  	[sflag:s5] =	ssyncset.done @!p2 $0x0  }
0x3b: {  	[sflag:s5] =	ssyncadd.s32 @!p2 $0xFFFFCE00;
	s5 =	simm.s32 @!p2 $0xF  }
0x3c: {  	_ =	swait.ge @!p2 [sflag:s5], $0x3200  }
0x3d: {  	[sflag:s5] =	ssyncset.done @!p2 $0x0  }
0x3e: {  	s9 =	simm.s32 $0x100;
	[sflag:s5] =	ssyncadd.s32 @!p2 $0xFFFFCE00  }
0x3f: {  	[tilespmem:s20], [sflag:$0x3] =	stream.indirect.gather [spmem:s1], $0x80, s9, s15, $0xb8;
	[tilespmem:$0x1E780] =	vst v63  }
0x40: {  	_ = 	snop  }
0x41: {  	[tilespmem:s21], [sflag:$0x7] =	stream.indirect.gather [spmem:s2], $0x80, s9, s15, $0xb8;
	[tilespmem:$0x1E780] =	vst v63  }
0x42: {  	_ =	swait.ge [sflag:s22], $0x3200  }
0x43: {  	[sflag:s22] =	ssyncset.done $0x0  }
0x44: {  	[sflag:s22] =	ssyncadd.s32 $0xFFFFCE00  }
0x45: {  	[hbm4b:s8+s23] =	stream.strided.scatter [tilespmem:s16], [sflag:$0x9], $0x3000, s24, s23, $0x38;
	[tilespmem:$0x1E780] =	vst v63  }
0x46: {  	s6 =	sadd.s32 $0xC00, s8;
	s11 =	rddreg [dreg:$0x5]  }
0x47: {  	[hbm4b:s6+s3] =	stream.linear.scatter [tilespmem:s11], [sflag:$0x9], $0x200, $0x38;
	[tilespmem:$0x1E780] =	vst v63  }
0x48: {  	_ =	swait.ge [sflag:s25], $0x3200  }
0x49: {  	[sflag:s25] =	ssyncset.done $0x0  }
0x4a: {  	s12 =	sadd.s32 $0x80, s8;
	[sflag:s25] =	ssyncadd.s32 $0xFFFFCE00  }
0x4b: {  	[hbm4b:s12+s23] =	stream.strided.scatter [tilespmem:s17], [sflag:$0xD], $0x3000, s24, s23, $0x38;
	[tilespmem:$0x1E780] =	vst v63  }
0x4c: {  	s4 =	sadd.s32 $0xC80, s8;
	s7 =	simm.s32 @!p2 $0xC;
	s14 =	rddreg [dreg:$0x6]  }
0x4d: {  	[hbm4b:s4+s3] =	stream.linear.scatter [tilespmem:s14], [sflag:$0xD], $0x200, $0x38;
	[tilespmem:$0x1E780] =	vst v63  }
0x4e: {  	_ =	swait.ge @!p2 [sflag:s7], $0x3200  }
0x4f: {  	[sflag:s7] =	ssyncset.done @!p2 $0x0  }
0x50: {  	s5 =	simm.s32 @!p2 $0x10;
	[sflag:s7] =	ssyncadd.s32 @!p2 $0xFFFFCE00  }
0x51: {  	_ =	swait.ge @!p2 [sflag:s5], $0x3200  }
0x52: {  	[sflag:s5] =	ssyncset.done @!p2 $0x0  }
0x53: {  	s6 =	simm.s32 $0x180;
	[sflag:s5] =	ssyncadd.s32 @!p2 $0xFFFFCE00  }
0x54: {  	[tilespmem:s26], [sflag:$0x4] =	stream.indirect.gather [spmem:s1], $0x80, s6, s15, $0xb8;
	[tilespmem:$0x1E780] =	vst v63  }
0x55: {  	_ = 	snop  }
0x56: {  	[tilespmem:s28], [sflag:$0x8] =	stream.indirect.gather [spmem:s2], $0x80, s6, s15, $0xb8;
	[tilespmem:$0x1E780] =	vst v63  }
0x57: {  	_ =	swait.ge [sflag:s29], $0x3200  }
0x58: {  	[sflag:s29] =	ssyncset.done $0x0  }
0x59: {  	s7 =	sadd.s32 $0xD00, s8;
	[sflag:s29] =	ssyncadd.s32 $0xFFFFCE00  }
0x5a: {  	[hbm4b:s7+s23] =	stream.strided.scatter [tilespmem:s18], [sflag:$0xA], $0x3000, s24, s23, $0x38;
	[tilespmem:$0x1E780] =	vst v63  }
0x5b: {  	s11 =	sadd.s32 $0x1900, s8;
	s9 =	rddreg [dreg:$0x7]  }
0x5c: {  	[hbm4b:s11+s3] =	stream.linear.scatter [tilespmem:s9], [sflag:$0xA], $0x200, $0x38;
	[tilespmem:$0x1E780] =	vst v63  }
0x5d: {  	_ =	swait.ge [sflag:s30], $0x3200  }
0x5e: {  	[sflag:s30] =	ssyncset.done $0x0  }
0x5f: {  	s12 =	sadd.s32 $0xD80, s8;
	p2 =	por $0x0, $0x0;
	[sflag:s30] =	ssyncadd.s32 $0xFFFFCE00  }
0x60: {  	[hbm4b:s12+s23] =	stream.strided.scatter [tilespmem:s19], [sflag:$0xE], $0x3000, s24, s23, $0x38;
	[tilespmem:$0x1E780] =	vst v63  }
0x61: {  	s4 =	sadd.s32 $0x1980, s8;
	s5 =	simm.s32 @!p2 $0x9;
	s14 =	rddreg [dreg:$0x8]  }
0x62: {  	[hbm4b:s4+s3] =	stream.linear.scatter [tilespmem:s14], [sflag:$0xE], $0x200, $0x38;
	[tilespmem:$0x1E780] =	vst v63  }
0x63: {  	_ =	swait.ge @!p2 [sflag:s5], $0x3200  }
0x64: {  	[sflag:s5] =	ssyncset.done @!p2 $0x0  }
0x65: {  	s6 =	simm.s32 @!p2 $0xD;
	[sflag:s5] =	ssyncadd.s32 @!p2 $0xFFFFCE00  }
0x66: {  	_ =	swait.ge @!p2 [sflag:s6], $0x3200  }
0x67: {  	s7 =	simm.s32 @!p2 $0x200;
	[sflag:s6] =	ssyncset.done @!p2 $0x0  }
0x68: {  	s9 =	simm.s32 @!p2 $0x64;
	s5 =	simm.s32 @!p2 $0x4780;
	[sflag:s6] =	ssyncadd.s32 @!p2 $0xFFFFCE00  }
0x69: {  	[tilespmem:s5], [sflag:$0x1] =	stream.indirect.gather @!p2 [spmem:s1], $0x80, s7, s9, $0xb8;
	[tilespmem:$0x1E780] =	vst v63  }
0x6a: {  	s5 =	simm.s32 @!p2 $0x11780  }
0x6b: {  	[tilespmem:s5], [sflag:$0x5] =	stream.indirect.gather @!p2 [spmem:s2], $0x80, s7, s9, $0xb8;
	[tilespmem:$0x1E780] =	vst v63  }
0x6c: {  	_ =	swait.ge [sflag:s31], $0x3200  }
0x6d: {  	[sflag:s31] =	ssyncset.done $0x0  }
0x6e: {  	s6 =	sadd.s32 $0x1A00, s8;
	[sflag:s31] =	ssyncadd.s32 $0xFFFFCE00  }
0x6f: {  	[hbm4b:s6+s23] =	stream.strided.scatter [tilespmem:s20], [sflag:$0xB], $0x3000, s24, s23, $0x38;
	[tilespmem:$0x1E780] =	vst v63  }
0x70: {  	s11 =	sadd.s32 $0x2600, s8;
	s7 =	rddreg [dreg:$0x9]  }
0x71: {  	[hbm4b:s11+s3] =	stream.linear.scatter [tilespmem:s7], [sflag:$0xB], $0x200, $0x38;
	[tilespmem:$0x1E780] =	vst v63  }
0x72: {  	_ =	swait.ge [sflag:s0], $0x3200  }
0x73: {  	[sflag:s0] =	ssyncset.done $0x0  }
0x74: {  	s12 =	sadd.s32 $0x1A80, s8;
	[sflag:s0] =	ssyncadd.s32 $0xFFFFCE00  }
0x75: {  	[hbm4b:s12+s23] =	stream.strided.scatter [tilespmem:s21], [sflag:$0xF], $0x3000, s24, s23, $0x38;
	[tilespmem:$0x1E780] =	vst v63  }
0x76: {  	s4 =	sadd.s32 $0x2680, s8;
	s7 =	simm.s32 @!p2 $0xA;
	s14 =	rddreg [dreg:$0xa]  }
0x77: {  	[hbm4b:s4+s3] =	stream.linear.scatter [tilespmem:s14], [sflag:$0xF], $0x200, $0x38;
	[tilespmem:$0x1E780] =	vst v63  }
0x78: {  	_ =	swait.ge @!p2 [sflag:s7], $0x3200  }
0x79: {  	[sflag:s7] =	ssyncset.done @!p2 $0x0  }
0x7a: {  	s5 =	simm.s32 @!p2 $0xE;
	[sflag:s7] =	ssyncadd.s32 @!p2 $0xFFFFCE00  }
0x7b: {  	_ =	swait.ge @!p2 [sflag:s5], $0x3200  }
0x7c: {  	[sflag:s5] =	ssyncset.done @!p2 $0x0  }
0x7d: {  	s6 =	simm.s32 @!p2 $0x280;
	s7 =	simm.s32 @!p2 $0x7B80;
	[sflag:s5] =	ssyncadd.s32 @!p2 $0xFFFFCE00  }
0x7e: {  	[tilespmem:s7], [sflag:$0x2] =	stream.indirect.gather @!p2 [spmem:s1], $0x80, s6, s9, $0xb8;
	[tilespmem:$0x1E780] =	vst v63  }
0x7f: {  	s5 =	simm.s32 @!p2 $0x14B80  }
0x80: {  	[tilespmem:s5], [sflag:$0x6] =	stream.indirect.gather @!p2 [spmem:s2], $0x80, s6, s9, $0xb8;
	[tilespmem:$0x1E780] =	vst v63  }
0x81: {  	_ =	swait.ge [sflag:s13], $0x3200  }
0x82: {  	[sflag:s13] =	ssyncset.done $0x0  }
0x83: {  	p6 =	por $0x0, $0x0;
	s9 =	sadd.s32 $0x2700, s8;
	[sflag:s13] =	ssyncadd.s32 $0xFFFFCE00  }
0x84: {  	[hbm4b:s9+s23] =	stream.strided.scatter [tilespmem:s26], [sflag:$0xC], $0x3000, s24, s23, $0x38;
	[tilespmem:$0x1E780] =	vst v63  }
0x85: {  	s12 =	sadd.s32 $0x3300, s8;
	s14 =	sadd.s32 $0x2780, s8;
	s11 =	rddreg [dreg:$0xb]  }
0x86: {  	[hbm4b:s12+s3] =	stream.linear.scatter [tilespmem:s11], [sflag:$0xC], $0x200, $0x38;
	[tilespmem:$0x1E780] =	vst v63  }
0x87: {  	s6 =	simm.s32 $0x1000;
	p2 =	por p6, p6;
	_ =	swait.ge [sflag:s10], $0x3200  }
0x88: {  	s5 =	sadd.s32 $0x3400, s8;
	s9 =	simm.s32 $0x800;
	[sflag:s10] =	ssyncset.done $0x0  }
0x89: {  	s12 =	sadd.s32 $0x3380, s8;
	s11 =	rddreg [dreg:$0xc];
	[sflag:s10] =	ssyncadd.s32 $0xFFFFCE00  }
0x8a: {  	[hbm4b:s14+s23] =	stream.strided.scatter [tilespmem:s28], [sflag:$0x10], $0x3000, s24, s23, $0x38;
	[tilespmem:$0x1E780] =	vst v63  }
.LBB2_7:
0x8b: {  	s14 =	simm.s32 @!p2 $0xB  }
0x8c: {  	[hbm4b:s12+s3] =	stream.linear.scatter [tilespmem:s11], [sflag:$0x10], $0x200, $0x38;
	[tilespmem:$0x1E780] =	vst v63  }
0x8d: {  	_ =	swait.ge @!p2 [sflag:s14], $0x3200  }
0x8e: {  	[sflag:s14] =	ssyncset.done @!p2 $0x0  }
0x8f: {  	s11 =	simm.s32 @!p2 $0xF;
	[sflag:s14] =	ssyncadd.s32 @!p2 $0xFFFFCE00  }
0x90: {  	_ =	swait.ge @!p2 [sflag:s11], $0x3200  }
0x91: {  	s12 =	sshra.s32 s9, $0x2;
	[sflag:s11] =	ssyncset.done @!p2 $0x0  }
0x92: {  	s4 =	sadd.s32 $0x100, s12;
	[sflag:s11] =	ssyncadd.s32 @!p2 $0xFFFFCE00  }
0x93: {  	[tilespmem:s20], [sflag:$0x3] =	stream.indirect.gather [spmem:s1], $0x80, s4, s15, $0xb8;
	[tilespmem:$0x1E780] =	vst v63  }
0x94: {  	_ = 	snop  }
0x95: {  	[tilespmem:s21], [sflag:$0x7] =	stream.indirect.gather [spmem:s2], $0x80, s4, s15, $0xb8;
	[tilespmem:$0x1E780] =	vst v63  }
0x96: {  	_ =	swait.ge [sflag:s22], $0x3200  }
0x97: {  	[sflag:s22] =	ssyncset.done $0x0  }
0x98: {  	[sflag:s22] =	ssyncadd.s32 $0xFFFFCE00  }
0x99: {  	[hbm4b:s5+s23] =	stream.strided.scatter [tilespmem:s16], [sflag:$0x9], $0x3000, s24, s23, $0x38;
	[tilespmem:$0x1E780] =	vst v63  }
0x9a: {  	s4 =	sadd.s32 $0xC00, s5;
	s14 =	rddreg [dreg:$0x5]  }
0x9b: {  	[hbm4b:s4+s3] =	stream.linear.scatter [tilespmem:s14], [sflag:$0x9], $0x200, $0x38;
	[tilespmem:$0x1E780] =	vst v63  }
0x9c: {  	_ =	swait.ge [sflag:s25], $0x3200  }
0x9d: {  	[sflag:s25] =	ssyncset.done $0x0  }
0x9e: {  	s4 =	sadd.s32 $0x80, s5;
	[sflag:s25] =	ssyncadd.s32 $0xFFFFCE00  }
0x9f: {  	[hbm4b:s4+s23] =	stream.strided.scatter [tilespmem:s17], [sflag:$0xD], $0x3000, s24, s23, $0x38;
	[tilespmem:$0x1E780] =	vst v63  }
0xa0: {  	s11 =	sadd.s32 $0xC80, s5;
	s14 =	rddreg [dreg:$0x6];
	s4 =	simm.s32 @!p2 $0xC  }
0xa1: {  	[hbm4b:s11+s3] =	stream.linear.scatter [tilespmem:s14], [sflag:$0xD], $0x200, $0x38;
	[tilespmem:$0x1E780] =	vst v63  }
0xa2: {  	_ =	swait.ge @!p2 [sflag:s4], $0x3200  }
0xa3: {  	[sflag:s4] =	ssyncset.done @!p2 $0x0  }
0xa4: {  	[sflag:s4] =	ssyncadd.s32 @!p2 $0xFFFFCE00;
	s4 =	simm.s32 @!p2 $0x10  }
0xa5: {  	_ =	swait.ge @!p2 [sflag:s4], $0x3200  }
0xa6: {  	[sflag:s4] =	ssyncset.done @!p2 $0x0  }
0xa7: {  	s14 =	sadd.s32 $0x180, s12;
	[sflag:s4] =	ssyncadd.s32 @!p2 $0xFFFFCE00  }
0xa8: {  	[tilespmem:s26], [sflag:$0x4] =	stream.indirect.gather [spmem:s1], $0x80, s14, s15, $0xb8;
	[tilespmem:$0x1E780] =	vst v63  }
0xa9: {  	_ = 	snop  }
0xaa: {  	[tilespmem:s28], [sflag:$0x8] =	stream.indirect.gather [spmem:s2], $0x80, s14, s15, $0xb8;
	[tilespmem:$0x1E780] =	vst v63  }
0xab: {  	_ =	swait.ge [sflag:s29], $0x3200  }
0xac: {  	[sflag:s29] =	ssyncset.done $0x0  }
0xad: {  	s11 =	sadd.s32 $0xD00, s5;
	[sflag:s29] =	ssyncadd.s32 $0xFFFFCE00  }
0xae: {  	[hbm4b:s11+s23] =	stream.strided.scatter [tilespmem:s18], [sflag:$0xA], $0x3000, s24, s23, $0x38;
	[tilespmem:$0x1E780] =	vst v63  }
0xaf: {  	s14 =	sadd.s32 $0x1900, s5;
	s12 =	rddreg [dreg:$0x7]  }
0xb0: {  	[hbm4b:s14+s3] =	stream.linear.scatter [tilespmem:s12], [sflag:$0xA], $0x200, $0x38;
	[tilespmem:$0x1E780] =	vst v63  }
0xb1: {  	p4 =	seq.s32 s6, $0x0;
	_ =	swait.ge [sflag:s30], $0x3200  }
0xb2: {  	p2 =	por p4, p4;
	[sflag:s30] =	ssyncset.done $0x0  }
0xb3: {  	p4 =	seq.s32 s9, $0xF800;
	s11 =	sadd.s32 $0xD80, s5;
	[sflag:s30] =	ssyncadd.s32 $0xFFFFCE00  }
0xb4: {  	[hbm4b:s11+s23] =	stream.strided.scatter [tilespmem:s19], [sflag:$0xE], $0x3000, s24, s23, $0x38;
	[tilespmem:$0x1E780] =	vst v63  }
0xb5: {  	s4 =	simm.s32 @!p4 $0x9;
	s14 =	sadd.s32 $0x1980, s5;
	s12 =	rddreg [dreg:$0x8]  }
0xb6: {  	[hbm4b:s14+s3] =	stream.linear.scatter [tilespmem:s12], [sflag:$0xE], $0x200, $0x38;
	[tilespmem:$0x1E780] =	vst v63  }
0xb7: {  	_ =	swait.ge @!p4 [sflag:s4], $0x3200  }
0xb8: {  	s7 =	smov.u32 s6;
	s11 =	sshra.s32 @!p4 s9, $0x2;
	[sflag:s4] =	ssyncset.done @!p4 $0x0  }
0xb9: {  	s9 =	smov.u32 s7;
	s7 =	simm.s32 @!p4 $0xD;
	[sflag:s4] =	ssyncadd.s32 @!p4 $0xFFFFCE00  }
0xba: {  	_ =	swait.ge @!p4 [sflag:s7], $0x3200  }
0xbb: {  	s12 =	sadd.s32 @!p4 $0x200, s11;
	[sflag:s7] =	ssyncset.done @!p4 $0x0  }
0xbc: {  	s14 =	simm.s32 @!p4 $0x64;
	s4 =	simm.s32 @!p4 $0x4780;
	[sflag:s7] =	ssyncadd.s32 @!p4 $0xFFFFCE00  }
0xbd: {  	[tilespmem:s4], [sflag:$0x1] =	stream.indirect.gather @!p4 [spmem:s1], $0x80, s12, s14, $0xb8;
	[tilespmem:$0x1E780] =	vst v63  }
0xbe: {  	s7 =	simm.s32 @!p4 $0x11780  }
0xbf: {  	[tilespmem:s7], [sflag:$0x5] =	stream.indirect.gather @!p4 [spmem:s2], $0x80, s12, s14, $0xb8;
	[tilespmem:$0x1E780] =	vst v63  }
0xc0: {  	_ =	swait.ge [sflag:s31], $0x3200  }
0xc1: {  	[sflag:s31] =	ssyncset.done $0x0  }
0xc2: {  	s4 =	sadd.s32 $0x1A00, s5;
	[sflag:s31] =	ssyncadd.s32 $0xFFFFCE00  }
0xc3: {  	[hbm4b:s4+s23] =	stream.strided.scatter [tilespmem:s20], [sflag:$0xB], $0x3000, s24, s23, $0x38;
	[tilespmem:$0x1E780] =	vst v63  }
0xc4: {  	s12 =	sadd.s32 $0x2600, s5;
	s7 =	rddreg [dreg:$0x9]  }
0xc5: {  	[hbm4b:s12+s3] =	stream.linear.scatter [tilespmem:s7], [sflag:$0xB], $0x200, $0x38;
	[tilespmem:$0x1E780] =	vst v63  }
0xc6: {  	_ =	swait.ge [sflag:s0], $0x3200  }
0xc7: {  	[sflag:s0] =	ssyncset.done $0x0  }
0xc8: {  	s4 =	sadd.s32 $0x1A80, s5;
	[sflag:s0] =	ssyncadd.s32 $0xFFFFCE00  }
0xc9: {  	[hbm4b:s4+s23] =	stream.strided.scatter [tilespmem:s21], [sflag:$0xF], $0x3000, s24, s23, $0x38;
	[tilespmem:$0x1E780] =	vst v63  }
0xca: {  	s12 =	sadd.s32 $0x2680, s5;
	s7 =	rddreg [dreg:$0xa];
	s4 =	simm.s32 @!p4 $0xA  }
0xcb: {  	[hbm4b:s12+s3] =	stream.linear.scatter [tilespmem:s7], [sflag:$0xF], $0x200, $0x38;
	[tilespmem:$0x1E780] =	vst v63  }
0xcc: {  	_ =	swait.ge @!p4 [sflag:s4], $0x3200  }
0xcd: {  	[sflag:s4] =	ssyncset.done @!p4 $0x0  }
0xce: {  	s7 =	simm.s32 @!p4 $0xE;
	[sflag:s4] =	ssyncadd.s32 @!p4 $0xFFFFCE00  }
0xcf: {  	_ =	swait.ge @!p4 [sflag:s7], $0x3200  }
0xd0: {  	[sflag:s7] =	ssyncset.done @!p4 $0x0  }
0xd1: {  	s4 =	sadd.s32 @!p4 $0x280, s11;
	s11 =	simm.s32 @!p4 $0x7B80;
	[sflag:s7] =	ssyncadd.s32 @!p4 $0xFFFFCE00  }
0xd2: {  	[tilespmem:s11], [sflag:$0x2] =	stream.indirect.gather @!p4 [spmem:s1], $0x80, s4, s14, $0xb8;
	[tilespmem:$0x1E780] =	vst v63  }
0xd3: {  	s7 =	simm.s32 @!p4 $0x14B80  }
0xd4: {  	[tilespmem:s7], [sflag:$0x6] =	stream.indirect.gather @!p4 [spmem:s2], $0x80, s4, s14, $0xb8;
	[tilespmem:$0x1E780] =	vst v63  }
0xd5: {  	_ =	swait.ge [sflag:s13], $0x3200  }
0xd6: {  	[sflag:s13] =	ssyncset.done $0x0  }
0xd7: {  	s6 =	sadd.s32 $0x800, s6;
	s7 =	sadd.s32 $0x2700, s5;
	[sflag:s13] =	ssyncadd.s32 $0xFFFFCE00  }
0xd8: {  	[hbm4b:s7+s23] =	stream.strided.scatter [tilespmem:s26], [sflag:$0xC], $0x3000, s24, s23, $0x38;
	[tilespmem:$0x1E780] =	vst v63  }
0xd9: {  	p3 =	sne.s32 s6, $0x10000;
	s12 =	sadd.s32 $0x3300, s5;
	s11 =	rddreg [dreg:$0xb]  }
0xda: {  	[hbm4b:s12+s3] =	stream.linear.scatter [tilespmem:s11], [sflag:$0xC], $0x200, $0x38;
	[tilespmem:$0x1E780] =	vst v63  }
.Ltmp3:
0xdb: {  	_ = 	snop;
	(pc) =	sbr.rel @p3 .LBB2_7-.Ltmp3, $4  }
0xdc: {  	_ =	swait.ge [sflag:s10], $0x3200  }
0xdd: {  	s14 =	sadd.s32 $0x2780, s5;
	s12 =	sadd.s32 $0x3380, s5;
	[sflag:s10] =	ssyncset.done $0x0  }
0xde: {  	s5 =	sadd.s32 $0x3400, s5;
	s11 =	rddreg [dreg:$0xc];
	[sflag:s10] =	ssyncadd.s32 $0xFFFFCE00  }
0xdf: {  	[hbm4b:s14+s23] =	stream.strided.scatter [tilespmem:s28], [sflag:$0x10], $0x3000, s24, s23, $0x38;
	[tilespmem:$0x1E780] =	vst v63  }
0xe0: {  	s4 =	simm.s32 @!p2 $0xB  }
0xe1: {  	[hbm4b:s12+s3] =	stream.linear.scatter [tilespmem:s11], [sflag:$0x10], $0x200, $0x38;
	[tilespmem:$0x1E780] =	vst v63  }
0xe2: {  	_ =	swait.ge @!p2 [sflag:s4], $0x3200  }
0xe3: {  	[sflag:s4] =	ssyncset.done @!p2 $0x0  }
0xe4: {  	[sflag:s4] =	ssyncadd.s32 @!p2 $0xFFFFCE00;
	s4 =	simm.s32 @!p2 $0xF  }
0xe5: {  	_ =	swait.ge @!p2 [sflag:s4], $0x3200  }
0xe6: {  	s6 =	sshra.s32 s9, $0x2;
	[sflag:s4] =	ssyncset.done @!p2 $0x0  }
0xe7: {  	s12 =	sadd.s32 $0x100, s6;
	[sflag:s4] =	ssyncadd.s32 @!p2 $0xFFFFCE00  }
0xe8: {  	[tilespmem:s20], [sflag:$0x3] =	stream.indirect.gather [spmem:s1], $0x80, s12, s15, $0xb8;
	[tilespmem:$0x1E780] =	vst v63  }
0xe9: {  	_ = 	snop  }
0xea: {  	[tilespmem:s21], [sflag:$0x7] =	stream.indirect.gather [spmem:s2], $0x80, s12, s15, $0xb8;
	[tilespmem:$0x1E780] =	vst v63  }
0xeb: {  	_ =	swait.ge [sflag:s22], $0x3200  }
0xec: {  	[sflag:s22] =	ssyncset.done $0x0  }
0xed: {  	[sflag:s22] =	ssyncadd.s32 $0xFFFFCE00  }
0xee: {  	[hbm4b:s5+s23] =	stream.strided.scatter [tilespmem:s16], [sflag:$0x9], $0x3000, s24, s23, $0x38;
	[tilespmem:$0x1E780] =	vst v63  }
0xef: {  	s7 =	sadd.s32 $0xC00, s5;
	s14 =	rddreg [dreg:$0x5]  }
0xf0: {  	[hbm4b:s7+s3] =	stream.linear.scatter [tilespmem:s14], [sflag:$0x9], $0x200, $0x38;
	[tilespmem:$0x1E780] =	vst v63  }
0xf1: {  	_ =	swait.ge [sflag:s25], $0x3200  }
0xf2: {  	[sflag:s25] =	ssyncset.done $0x0  }
0xf3: {  	s7 =	sadd.s32 $0x80, s5;
	[sflag:s25] =	ssyncadd.s32 $0xFFFFCE00  }
0xf4: {  	[hbm4b:s7+s23] =	stream.strided.scatter [tilespmem:s17], [sflag:$0xD], $0x3000, s24, s23, $0x38;
	[tilespmem:$0x1E780] =	vst v63  }
0xf5: {  	s4 =	simm.s32 @!p2 $0xC;
	s12 =	sadd.s32 $0xC80, s5;
	s11 =	rddreg [dreg:$0x6]  }
0xf6: {  	[hbm4b:s12+s3] =	stream.linear.scatter [tilespmem:s11], [sflag:$0xD], $0x200, $0x38;
	[tilespmem:$0x1E780] =	vst v63  }
0xf7: {  	_ =	swait.ge @!p2 [sflag:s4], $0x3200  }
0xf8: {  	[sflag:s4] =	ssyncset.done @!p2 $0x0  }
0xf9: {  	[sflag:s4] =	ssyncadd.s32 @!p2 $0xFFFFCE00;
	s4 =	simm.s32 @!p2 $0x10  }
0xfa: {  	_ =	swait.ge @!p2 [sflag:s4], $0x3200  }
0xfb: {  	[sflag:s4] =	ssyncset.done @!p2 $0x0  }
0xfc: {  	s14 =	sadd.s32 $0x180, s6;
	[sflag:s4] =	ssyncadd.s32 @!p2 $0xFFFFCE00  }
0xfd: {  	[tilespmem:s26], [sflag:$0x4] =	stream.indirect.gather [spmem:s1], $0x80, s14, s15, $0xb8;
	[tilespmem:$0x1E780] =	vst v63  }
0xfe: {  	_ = 	snop  }
0xff: {  	[tilespmem:s28], [sflag:$0x8] =	stream.indirect.gather [spmem:s2], $0x80, s14, s15, $0xb8;
	[tilespmem:$0x1E780] =	vst v63  }
0x100: {  	_ =	swait.ge [sflag:s29], $0x3200  }
0x101: {  	[sflag:s29] =	ssyncset.done $0x0  }
0x102: {  	s6 =	sadd.s32 $0xD00, s5;
	[sflag:s29] =	ssyncadd.s32 $0xFFFFCE00  }
0x103: {  	[hbm4b:s6+s23] =	stream.strided.scatter [tilespmem:s18], [sflag:$0xA], $0x3000, s24, s23, $0x38;
	[tilespmem:$0x1E780] =	vst v63  }
0x104: {  	s11 =	sadd.s32 $0x1900, s5;
	s7 =	rddreg [dreg:$0x7]  }
0x105: {  	[hbm4b:s11+s3] =	stream.linear.scatter [tilespmem:s7], [sflag:$0xA], $0x200, $0x38;
	[tilespmem:$0x1E780] =	vst v63  }
0x106: {  	_ =	swait.ge [sflag:s30], $0x3200  }
0x107: {  	[sflag:s30] =	ssyncset.done $0x0  }
0x108: {  	s12 =	sadd.s32 $0xD80, s5;
	p2 =	seq.s32 s9, $0xF800;
	[sflag:s30] =	ssyncadd.s32 $0xFFFFCE00  }
0x109: {  	[hbm4b:s12+s23] =	stream.strided.scatter [tilespmem:s19], [sflag:$0xE], $0x3000, s24, s23, $0x38;
	[tilespmem:$0x1E780] =	vst v63  }
0x10a: {  	s4 =	simm.s32 @!p2 $0x9;
	s7 =	sadd.s32 $0x1980, s5;
	s14 =	rddreg [dreg:$0x8]  }
0x10b: {  	[hbm4b:s7+s3] =	stream.linear.scatter [tilespmem:s14], [sflag:$0xE], $0x200, $0x38;
	[tilespmem:$0x1E780] =	vst v63  }
0x10c: {  	_ =	swait.ge @!p2 [sflag:s4], $0x3200  }
0x10d: {  	[sflag:s4] =	ssyncset.done @!p2 $0x0  }
0x10e: {  	s6 =	simm.s32 @!p2 $0xD;
	[sflag:s4] =	ssyncadd.s32 @!p2 $0xFFFFCE00  }
0x10f: {  	_ =	swait.ge @!p2 [sflag:s6], $0x3200  }
0x110: {  	s7 =	simm.s32 @!p2 $0x4780;
	s4 =	sshra.s32 @!p2 s9, $0x2;
	[sflag:s6] =	ssyncset.done @!p2 $0x0  }
0x111: {  	s9 =	sadd.s32 @!p2 $0x200, s4;
	[sflag:s6] =	ssyncadd.s32 @!p2 $0xFFFFCE00;
	s6 =	simm.s32 @!p2 $0x64  }
0x112: {  	[tilespmem:s7], [sflag:$0x1] =	stream.indirect.gather @!p2 [spmem:s1], $0x80, s9, s6, $0xb8;
	[tilespmem:$0x1E780] =	vst v63  }
0x113: {  	s7 =	simm.s32 @!p2 $0x11780  }
0x114: {  	[tilespmem:s7], [sflag:$0x5] =	stream.indirect.gather @!p2 [spmem:s2], $0x80, s9, s6, $0xb8;
	[tilespmem:$0x1E780] =	vst v63  }
0x115: {  	_ =	swait.ge [sflag:s31], $0x3200  }
0x116: {  	[sflag:s31] =	ssyncset.done $0x0  }
0x117: {  	s11 =	sadd.s32 $0x1A00, s5;
	[sflag:s31] =	ssyncadd.s32 $0xFFFFCE00  }
0x118: {  	[hbm4b:s11+s23] =	stream.strided.scatter [tilespmem:s20], [sflag:$0xB], $0x3000, s24, s23, $0x38;
	[tilespmem:$0x1E780] =	vst v63  }
0x119: {  	s14 =	sadd.s32 $0x2600, s5;
	s12 =	rddreg [dreg:$0x9]  }
0x11a: {  	[hbm4b:s14+s3] =	stream.linear.scatter [tilespmem:s12], [sflag:$0xB], $0x200, $0x38;
	[tilespmem:$0x1E780] =	vst v63  }
0x11b: {  	_ =	swait.ge [sflag:s0], $0x3200  }
0x11c: {  	[sflag:s0] =	ssyncset.done $0x0  }
0x11d: {  	s11 =	sadd.s32 $0x1A80, s5;
	[sflag:s0] =	ssyncadd.s32 $0xFFFFCE00  }
0x11e: {  	[hbm4b:s11+s23] =	stream.strided.scatter [tilespmem:s21], [sflag:$0xF], $0x3000, s24, s23, $0x38;
	[tilespmem:$0x1E780] =	vst v63  }
0x11f: {  	s7 =	simm.s32 @!p2 $0xA;
	s14 =	sadd.s32 $0x2680, s5;
	s12 =	rddreg [dreg:$0xa]  }
0x120: {  	[hbm4b:s14+s3] =	stream.linear.scatter [tilespmem:s12], [sflag:$0xF], $0x200, $0x38;
	[tilespmem:$0x1E780] =	vst v63  }
0x121: {  	_ =	swait.ge @!p2 [sflag:s7], $0x3200  }
0x122: {  	[sflag:s7] =	ssyncset.done @!p2 $0x0  }
0x123: {  	[sflag:s7] =	ssyncadd.s32 @!p2 $0xFFFFCE00;
	s7 =	simm.s32 @!p2 $0xE  }
0x124: {  	_ =	swait.ge @!p2 [sflag:s7], $0x3200  }
0x125: {  	[sflag:s7] =	ssyncset.done @!p2 $0x0  }
0x126: {  	s4 =	sadd.s32 @!p2 $0x280, s4;
	[sflag:s7] =	ssyncadd.s32 @!p2 $0xFFFFCE00;
	s7 =	simm.s32 @!p2 $0x7B80  }
0x127: {  	[tilespmem:s7], [sflag:$0x2] =	stream.indirect.gather @!p2 [spmem:s1], $0x80, s4, s6, $0xb8;
	[tilespmem:$0x1E780] =	vst v63  }
0x128: {  	s7 =	simm.s32 @!p2 $0x14B80  }
0x129: {  	[tilespmem:s7], [sflag:$0x6] =	stream.indirect.gather @!p2 [spmem:s2], $0x80, s4, s6, $0xb8;
	[tilespmem:$0x1E780] =	vst v63  }
0x12a: {  	_ =	swait.ge [sflag:s13], $0x3200  }
0x12b: {  	[sflag:s13] =	ssyncset.done $0x0  }
0x12c: {  	s11 =	sadd.s32 $0x2700, s5;
	[sflag:s13] =	ssyncadd.s32 $0xFFFFCE00  }
0x12d: {  	[hbm4b:s11+s23] =	stream.strided.scatter [tilespmem:s26], [sflag:$0xC], $0x3000, s24, s23, $0x38;
	[tilespmem:$0x1E780] =	vst v63  }
0x12e: {  	s14 =	sadd.s32 $0x3300, s5;
	s12 =	rddreg [dreg:$0xb]  }
0x12f: {  	[hbm4b:s14+s3] =	stream.linear.scatter [tilespmem:s12], [sflag:$0xC], $0x200, $0x38;
	[tilespmem:$0x1E780] =	vst v63  }
0x130: {  	_ =	swait.ge [sflag:s10], $0x3200  }
0x131: {  	[sflag:s10] =	ssyncset.done $0x0  }
0x132: {  	s6 =	sadd.s32 $0x2780, s5;
	[sflag:s10] =	ssyncadd.s32 $0xFFFFCE00  }
0x133: {  	[hbm4b:s6+s23] =	stream.strided.scatter [tilespmem:s28], [sflag:$0x10], $0x3000, s24, s23, $0x38;
	[tilespmem:$0x1E780] =	vst v63  }
0x134: {  	s9 =	sadd.s32 $0x3380, s5;
	s11 =	simm.s32 $0x9;
	s7 =	rddreg [dreg:$0xc]  }
0x135: {  	[hbm4b:s9+s3] =	stream.linear.scatter [tilespmem:s7], [sflag:$0x10], $0x200, $0x38;
	[tilespmem:$0x1E780] =	vst v63  }
0x136: {  	_ =	swait.ge [sflag:s11], $0x3200  }
0x137: {  	[sflag:s11] =	ssyncset.done $0x0  }
0x138: {  	s12 =	simm.s32 $0xD;
	[sflag:s11] =	ssyncadd.s32 $0xFFFFCE00  }
0x139: {  	_ =	swait.ge [sflag:s12], $0x3200  }
0x13a: {  	[sflag:s12] =	ssyncset.done $0x0  }
0x13b: {  	s14 =	simm.s32 $0xA;
	[sflag:s12] =	ssyncadd.s32 $0xFFFFCE00  }
0x13c: {  	_ =	swait.ge [sflag:s14], $0x3200  }
0x13d: {  	[sflag:s14] =	ssyncset.done $0x0  }
0x13e: {  	s5 =	simm.s32 $0xE;
	[sflag:s14] =	ssyncadd.s32 $0xFFFFCE00  }
0x13f: {  	_ =	swait.ge [sflag:s5], $0x3200  }
0x140: {  	[sflag:s5] =	ssyncset.done $0x0  }
0x141: {  	s6 =	simm.s32 $0xB;
	[sflag:s5] =	ssyncadd.s32 $0xFFFFCE00  }
0x142: {  	_ =	swait.ge [sflag:s6], $0x3200  }
0x143: {  	[sflag:s6] =	ssyncset.done $0x0  }
0x144: {  	s7 =	simm.s32 $0xF;
	[sflag:s6] =	ssyncadd.s32 $0xFFFFCE00  }
0x145: {  	_ =	swait.ge [sflag:s7], $0x3200  }
0x146: {  	[sflag:s7] =	ssyncset.done $0x0  }
0x147: {  	s9 =	simm.s32 $0xC;
	[sflag:s7] =	ssyncadd.s32 $0xFFFFCE00  }
0x148: {  	_ =	swait.ge [sflag:s9], $0x3200  }
0x149: {  	[sflag:s9] =	ssyncset.done $0x0  }
0x14a: {  	s11 =	simm.s32 $0x10;
	[sflag:s9] =	ssyncadd.s32 $0xFFFFCE00  }
0x14b: {  	_ =	swait.ge [sflag:s11], $0x3200  }
0x14c: {  	s12 =	rddreg [dreg:$0x12]  }
0x14d: {  	s14 =	rddreg [dreg:$0x10];
	s6 =	sadd.s32 $0x1, s12  }
0x14e: {  	p2 =	sne.s32 s6, s14  }
.Ltmp4:
0x14f: {  	_ = 	snop;
	(pc) =	sbr.rel @p2 .LBB2_1-.Ltmp4, $3  }
0x150: {  	_ =	sdelay $0x1  }
0x151: {  	[sflag:s11] =	ssyncset.done $0x0  }
0x152: {  	[sflag:s11] =	ssyncadd.s32 $0xFFFFCE00  }
0x153: {  	_ =	sfence.sel $0x180000  }
0x154: {  	[bflag:$0x0] =	sbarrier.arrive $0xFFFF  }
0x155: {  	_ =	strace $0x90000047  }
0x156: {  	[bflag:$0x2] =	sbarrier.arrive $0xFFFF  }
0x157: {  	s0 =	rddreg [dreg:$0x4]  }
0x158: {  	s0 =	sadd.s32 @!p1 $0x100000, s0  }
0x159: {  	[sflag:s0] =	ssyncadd.tile.s32 @!p1 $0x1;
	_ =	shalt  }
.Lfunc_end2:
_tile_overlayer_lowered:
.L_overlay_start_2:
0x15a: {  	(tag) =	ssettag $0x2  }
0x15b: {  	s0 =	rddreg [dreg:$0x0];
	s2 =	stileid.u32  }
0x15c: {  	s1 =	rddreg [dreg:$0x1];
	p0 =	sne.s32 s2, $0x0  }
0x15d: {  	s3 =	rddreg [dreg:$0x2];
	[bflag:$0x3] =	sbarrier.arrive $0xFFFF;
	s2 =	simm.s32 @!p0 $0x1C11  }
0x15e: {  	[timem:s3], [sflag:s2] =	dma.local @!p0 [hbm:s0], s1  }
0x15f: {  	s0 =	simm.s32 @!p0 $0x11  }
0x160: {  	_ =	swait.ge @!p0 [sflag:s0], s1  }
0x161: {  	s1 =	ssub.s32 @!p0 $0x0, s1;
	[sflag:s0] =	ssyncset.done @!p0 $0x0  }
0x162: {  	[sflag:s0] =	ssyncadd.s32 @!p0 s1  }
0x163: {  	[bflag:$0x3] =	sbarrier.arrive $0xFFFF  }
0x164: {  	_ =	shalt  }

// kernel: sparse-core-data-format-call.cloned.1.call-start
scs
called_computation_lowered:
.L_overlay_start_0:
0x0: {  	s2 =	sld [smem:$0x3FD9]  }
0x1: {  	s3 =	sld [smem:$0x3FFE];
	_ =	sdelay $0x1  }
0x2: {  	s1 =	srdreg.scid  }
0x3: {  	s0 =	sand.u32 $0x1, s1  }
0x4: {  	s18 =	sshll.u32 s0, $0xA;
	s2 =	sadd.s32 s3, s2  }
0x5: {  	s2 =	sadd.s32 s2, s18  }
0x6: {  	[smem:$0x3FC6] =	sst s2  }
0x7: {  	_ = 	snop  }
0x8: {  	s2 =	sld [smem:$0x3FD0];
	(tm) =	ssettm $0x1  }
0x9: {  	s19 =	sld [smem:$0x3FFB];
	_ =	sdelay $0x3  }
0xa: {  	_ =	strace s19  }
0xb: {  	s3 =	sld [smem:$0x3FFC];
	_ =	sdelay $0x3  }
0xc: {  	_ =	strace s3  }
0xd: {  	s3 =	sld [smem:$0x3FFD];
	_ =	sdelay $0x3  }
0xe: {  	_ =	strace s3  }
0xf: {  	_ =	strace $0x8FFFFFFF  }
0x10: {  	s20 =	sld [smem:$0x3FDB];
	_ =	sdelay $0x1  }
0x11: {  	s4 =	simm.s32 $_scs_section_size  }
0x12: {  	s5 =	simm.s32 $_size__tile_overlayer_lowered;
	s6 =	simm.s32 $_tile_overlayer_lowered  }
0x13: {  	s23 =	simm.s32 $0x1BFF;
	s22 =	sshll.u32 s6, $0x1;
	s3 =	sadd.s32 s4, s20  }
0x14: {  	s7 =	simm.s32 $0x0;
	s21 =	sshll.u32 s5, $0x1;
	s5 =	sadd.s32 s22, s3  }
0x15: {  	[timem:s7], [sflag:s23] =	dma.local [hbm:s5], s21  }
0x16: {  	_ =	swait.ge [sflag:s23], s21  }
0x17: {  	s4 =	ssub.s32 $0x0, s21;
	[sflag:s23] =	ssyncset.done $0x0  }
0x18: {  	[sflag:s23] =	ssyncadd.s32 s4;
	_ =	sdelay $0x1  }
0x19: {  	s24 =	simm.s32 $0x1B8B  }
0x1a: {  	_ =	swait.ge [sflag:s24], $0x1  }
0x1b: {  	[sflag:s24] =	ssyncset.done $0x0  }
0x1c: {  	s26 =	simm.s32 $0x1B8E;
	s25 =	sld [smem:$0x3FFE];
	[sflag:s24] =	ssyncadd.s32 $0xFFFFFFFF  }
0x1d: {  	s27 =	simm.s32 $execute0_lowered;
	[smem:$0x3FD2] =	sst s26  }
0x1e: {  	s5 =	sshll.u32 s27, $0x1;
	_ =	strace $0x80000049;
	[dreg:$0x1] =	wrdreg $0xFFFFFFFF  }
0x1f: {  	s28 =	simm.s32 $_size_execute0_lowered;
	s3 =	sadd.s32 s3, s5;
	[dreg:$0x0] =	wrdreg $0x0  }
0x20: {  	s5 =	sshll.u32 s28, $0x1;
	[dreg:$0x2] =	wrdreg s3  }
0x21: {  	[dreg:$0x3] =	wrdreg s5  }
0x22: {  	[dreg:$0x4] =	wrdreg $0xC0  }
0x23: {  	_ =	task [dreg:s7], $0x5FFFF  }
0x24: {  	[dreg:$0x1] =	wrdreg $0xFFFFFFFF  }
0x25: {  	[dreg:$0x0] =	wrdreg $0x60  }
0x26: {  	[dreg:$0x2] =	wrdreg s25  }
0x27: {  	[dreg:$0x3] =	wrdreg s2  }
0x28: {  	[dreg:$0x4] =	wrdreg $0x9  }
0x29: {  	_ =	task.clear_ibuf [dreg:s7], $0x5FFFF;
	_ =	strace $0x90000049  }
0x2a: {  	s29 =	simm.s32 $0x9;
	_ =	strace $0x8000004B  }
0x2b: {  	_ =	swait.ge [sflag:s29], $0x1  }
0x2c: {  	[sflag:s29] =	ssyncadd.s32 $0xFFFFFFFF  }
0x2d: {  	_ =	strace $0x9000004B  }
0x2e: {  	_ =	sfence  }
0x2f: {  	s30 =	sld [smem:$0x0];
	_ =	sdelay $0x2  }
0x30: {  	s31 =	sshll.u32 s1, $0xD;
	s1 =	sshrl.u32 s1, $0x2  }
0x31: {  	s3 =	sand.u32 $0x4000, s31;
	s1 =	sadd.s32 s1, s30  }
0x32: {  	s0 =	sor.u32 s3, s0;
	s1 =	sshll.u32 s1, $0x11  }
0x33: {  	s0 =	sor.u32 s1, s0  }
0x34: {  	s0 =	sadd.s32 $0x8F2B, s0  }
0x35: {  	[sflag:s0] =	ssyncadd.remote.s32 $0x1  }
0x36: {  	_ =	sfence.sel $0xFFFF  }
0x37: {  	[dreg:$0x0] =	wrdreg $0xFFFFFFFF;
	(pc) =	sbr.abs _section_cstart, $3  }
0x38: {  	[dreg:$0x1] =	wrdreg $0xFFFFFFFF  }
0x39: {  	_ =	task.clear_ibuf [dreg:s7], $0x2FFFF;
	_ =	strace $0x9FFFFFFF  }
0x3a: {  	(tm) =	ssettm $0x7FFFFFFF  }
0x3b: {  	_ =	shalt  }
tec
execute0_lowered:
.L_overlay_start_1:
0x0: {  	(tag) =	ssettag $0x1  }
0x1: {  	s0 =	srdreg.scid;
	s6 =	rddreg [dreg:$0x0]  }
0x2: {  	s3 =	rddreg [dreg:$0x1];
	s1 =	sshll.u32 s0, $0x4  }
0x3: {  	s5 =	simm.s32 $0x1;
	s0 =	stileid.u32;
	s1 =	sand.u32 $0x10, s1  }
0x4: {  	s31 =	simm.s32 $0x2;
	s16 =	simm.s32 $0x0;
	s1 =	sor.u32 s0, s1  }
0x5: {  	s8 =	simm.s32 $0x8000;
	s18 =	simm.s32 $0x0;
	s2 =	sshll.u32 s1, $0x7  }
0x6: {  	s17 =	simm.s32 $0x0;
	s9 =	simm.s32 $0x0;
	s4 =	ssub.s32 $0x1000, s2  }
0x7: {  	s10 =	simm.s32 $0x0;
	s11 =	simm.s32 $0x0;
	s30 =	sand.u32 $0xF80, s4  }
0x8: {  	s12 =	simm.s32 $0x0;
	s13 =	simm.s32 $0x0;
	p0 =	sne.s32 s30, $0x0  }
.Ltmp0:
0x9: {  	s7 =	sshrl.u32 s4, $0xC;
	s5 =	simm.s32 @!p0 $0x0;
	(pc) =	sbr.rel .LBB1_1-.Ltmp0, $4  }
0xa: {  	s15 =	simm.s32 $0x0;
	s1 =	rddreg [dreg:$0x2];
	s5 =	sadd.s32 s5, s7  }
0xb: {  	_ =	strace $0x8000004A;
	s4 =	simm.s32 $0x1;
	s5 =	smul.u32 $0xC8, s5  }
0xc: {  	s6 =	sadd.s32 $0x1800, s6;
	s14 =	smov.u32 s2;
	[sflag:s4] =	ssyncpa.u1 $0x0  }
0xd: {  	[sflag:s31] =	ssyncpa.u1 $0x0;
	p0 =	por $0x0, $0x0;
	s7 =	sor.u32 $0x1, s5  }
.LBB1_4:
0xe: {  	s23 =	sshra.s32 s23, $0x2;
	s30 =	sshll.u32 s9, $0xC  }
0xf: {  	p1 =	sgt.s32 s10, $0x63;
	s24 =	smov.u32 s10;
	s25 =	sshra.s32 s10, $0x1F  }
0x10: {  	s26 =	sshll.u32 s11, $0x3;
	s28 =	smov.u32 s11;
	s29 =	sshra.s32 s11, $0x1F  }
0x11: {  	s22 =	sadd.s32 s23, s22;
	s24 =	simm.s32 @!p1 $0x63;
	s25 =	sand.u32 s25, s10  }
0x12: {  	s23 =	sand.u32 $0xFFFF8000, s30;
	s27 =	sand.u32 $0xFFFFFC00, s26;
	p1 =	sgt.s32 s9, $0x48  }
0x13: {  	s31 =	sand.u32 s29, s11;
	s29 =	sshll.u32 s9, $0x7;
	s30 =	sshra.s32 s9, $0x1F  }
0x14: {  	[tilespmem:s21+$0x2040 ss:$0x81] =	vst.msk $0xffff, v4;
	s24 =	ssub.s32 s24, s25;
	s23 =	sadd.s32 s27, s23;
	s27 =	smov.u32 s9  }
0x15: {  	[tilespmem:s21+$0x2850 ss:$0x81] =	vst.msk $0xffff, v3;
	s29 =	sand.u32 $0x380, s29;
	s25 =	sadd.s32 $0xFFFFFF9D, s24;
	s27 =	simm.s32 @!p1 $0x48  }
0x16: {  	v5 =	vld [tilespmem:s20+$0xFFFFFFD0];
	[tilespmem:s21+$0x3060 ss:$0x81] =	vst.msk $0xffff, v2;
	p1 =	sgt.s32 s11, $0xF80;
	s23 =	sshrl.u32 s23, $0xC;
	s24 =	ssub.s32 $0x64, s24  }
0x17: {  	v58 =	vld [tilespmem:s20+$0xFFFFFFE0];
	[tilespmem:s21+$0x0 ss:$0x81] =	vst.msk $0xffff, v1;
	s28 =	simm.s32 @!p1 $0xF80;
	p1 =	sgt.s32 s25, $0x0;
	s21 =	smulhi.u32 $0x147AE15, s23  }
0x18: {  	v59 =	vld [tilespmem:s20+$0xFFFFFFF0];
	s25 =	ssub.s32 s28, s31;
	s28 =	sand.u32 s30, s9;
	s24 =	simm.s32 @p1 $0x0  }
0x19: {  	v60 =	vld [tilespmem:s20+$0x0];
	s27 =	ssub.s32 s27, s28;
	s31 =	sadd.s32 $0xFFFFF080, s25;
	s25 =	ssub.s32 $0x1000, s25  }
0x1a: {  	v61 =	vld [tilespmem:s20+$0x10];
	[tilespmem:s22+$0x3870 ss:$0x81] =	vst.msk $0xffff, v0;
	s21 =	smul.u32 $0xC8, s21;
	s28 =	sand.u32 $0x7, s11;
	p1 =	sgt.s32 s31, $0x7F  }
0x1b: {  	v62 =	vld [tilespmem:s20+$0x20];
	[tilespmem:s22+$0x810 ss:$0x81] =	vst.msk $0xffff, v5;
	s30 =	sadd.s32 $0xFFFFFFB8, s27;
	s31 =	sand.u32 $0x78, s11;
	s25 =	simm.s32 @p1 $0x0  }
0x1c: {  	v63 =	vld [tilespmem:s20+$0xFFFFFFC0];
	[tilespmem:s22+$0x1020 ss:$0x81] =	vst.msk $0xffff, v58;
	p1 =	sgt.s32 s30, $0x7F;
	s30 =	sand.u32 $0xC00, s26;
	s24 =	smul.u32 s25, s24  }
0x1d: {  	[tilespmem:s22+$0x1830 ss:$0x81] =	vst.msk $0xffff, v59;
	s26 =	ssub.s32 $0xC8, s27;
	s20 =	sor.u32 s31, s30;
	s31 =	smul.u32 $0x19000, s10  }
0x1e: {  	[tilespmem:s22+$0x2040 ss:$0x81] =	vst.msk $0xffff, v60;
	s21 =	ssub.s32 s23, s21;
	s26 =	simm.s32 @p1 $0x0;
	s20 =	sor.u32 s29, s20  }
0x1f: {  	[tilespmem:s22+$0x2850 ss:$0x81] =	vst.msk $0xffff, v61;
	s26 =	smul.u32 s26, s24;
	s20 =	sshrl.u32 s20, $0x3;
	s27 =	sadd.s32 s3, s31  }
0x20: {  	[tilespmem:s22+$0x3060 ss:$0x81] =	vst.msk $0xffff, v62;
	s21 =	sshll.u32 s21, $0x9;
	s29 =	sshll.u32 s28, $0x12;
	s20 =	sadd.s32 s20, s27  }
0x21: {  	[tilespmem:s22+$0x0 ss:$0x81] =	vst.msk $0xffff, v63;
	s31 =	sor.u32 $0x400, s29;
	s30 =	sand.u32 $0x3FFFFFFF, s26;
	s20 =	sadd.s32 s21, s20  }
0x22: {  	[hbm4b:s20+s31] =	stream.strided.scatter [tilespmem:s19], [sflag:$0x2], s30, s8, s31, $0x20;
	[tilespmem:$0x10100] =	vst v63  }
.LBB1_5:
0x23: {  	p1 =	slt.u32 s15, $0x2  }
0x24: {  	p2 =	sgt.s32 @!p1 s18, $0x63  }
0x25: {  	s19 =	smov.u32 s18;
	s20 =	sshra.s32 @!p1 s18, $0x1F;
	p2 =	por !p2, p1  }
0x26: {  	s18 =	sand.u32 @!p1 s20, s18;
	s19 =	simm.s32 @p2 $0x63  }
0x27: {  	p3 =	sgt.s32 @!p1 s16, $0x48;
	s18 =	ssub.s32 @!p1 s19, s18  }
0x28: {  	p4 =	sgt.s32 @!p1 s17, $0xF80;
	s21 =	sshra.s32 @!p1 s17, $0x1F;
	s19 =	sadd.s32 @!p1 $0xFFFFFF9D, s18  }
0x29: {  	s20 =	smov.u32 s16;
	p2 =	sgt.s32 @!p1 s19, $0x0;
	s19 =	sshra.s32 @!p1 s16, $0x1F  }
0x2a: {  	p4 =	por !p4, p1;
	s16 =	sand.u32 @!p1 s19, s16;
	s19 =	smov.u32 s17  }
0x2b: {  	p3 =	por !p3, p1;
	s17 =	sand.u32 @!p1 s21, s17;
	s19 =	simm.s32 @p4 $0xF80  }
0x2c: {  	s20 =	simm.s32 @p3 $0x48;
	s18 =	ssub.s32 @!p1 $0x64, s18;
	s17 =	ssub.s32 @!p1 s19, s17  }
0x2d: {  	p2 =	por !p2, p1;
	s16 =	ssub.s32 @!p1 s20, s16;
	s20 =	sadd.s32 @!p1 $0xFFFFF080, s17  }
0x2e: {  	s18 =	simm.s32 @!p2 $0x0;
	p3 =	sgt.s32 @!p1 s20, $0x7F  }
0x2f: {  	s19 =	sadd.s32 @!p1 $0xFFFFFFB8, s16;
	s17 =	ssub.s32 @!p1 $0x1000, s17;
	p3 =	por !p3, p1  }
0x30: {  	p2 =	sgt.s32 @!p1 s19, $0x7F;
	s19 =	sadd.s32 $0x80, s12;
	s17 =	simm.s32 @!p3 $0x0  }
0x31: {  	p3 =	sgt.s32 s19, $0xC7;
	s17 =	smul.u32 @!p1 s17, s18;
	s18 =	simm.s32 $0x1  }
0x32: {  	s16 =	ssub.s32 @!p1 $0xC8, s16;
	p2 =	por !p2, p1;
	s18 =	simm.s32 @!p3 $0x0  }
0x33: {  	s21 =	smov.u32 s14;
	s16 =	simm.s32 @!p2 $0x0;
	s20 =	sadd.s32 s18, s13  }
0x34: {  	s16 =	smul.u32 @!p1 s16, s17;
	s17 =	sadd.s32 $0x1000, s14;
	p2 =	sgt.s32 s20, $0x63  }
0x35: {  	p0 =	por !p0, !p0;
	s22 =	simm.s32 @!p1 $0x2;
	s21 =	smov.u32 @p2 s17  }
0x36: {  	s19 =	simm.s32 @p3 $0x0;
	s20 =	simm.s32 @p2 $0x0;
	p2 =	sgt.s32 s21, $0xFFF  }
0x37: {  	s18 =	smov.u32 s10;
	s21 =	smov.u32 @p2 s2;
	p2 =	sne.s32 s15, s7  }
.Ltmp1:
0x38: {  	s10 =	smov.u32 s13;
	s16 =	sand.u32 @!p1 $0x3FFFFFFF, s16;
	(pc) =	sbr.rel @!p2 .LBB1_6-.Ltmp1, $4  }
0x39: {  	s17 =	smov.u32 s11;
	s11 =	smov.u32 s14;
	_ =	swait.ge @!p1 [sflag:s22], s16  }
0x3a: {  	s23 =	ssub.s32 @!p1 $0x0, s16;
	s16 =	smov.u32 s9;
	s9 =	smov.u32 s12  }
0x3b: {  	s12 =	smov.u32 s19;
	s13 =	smov.u32 s20;
	[sflag:s22] =	ssyncset.done @!p1 $0x0  }
0x3c: {  	s15 =	sadd.s32 $0x1, s15;
	[sflag:s22] =	ssyncadd.s32 @!p1 s23;
	s14 =	smov.u32 s21  }
.LBB1_1:
0x3d: {  	p1 =	sge.u32 s15, s5  }
0x3e: {  	s19 =	sshll.u32 @!p1 s13, $0x8;
	s20 =	sshll.u32 @!p1 s12, $0x3  }
0x3f: {  	s21 =	sshll.u32 @!p1 s13, $0x7;
	s19 =	sand.u32 @!p1 $0xFFFFF800, s19;
	s20 =	sand.u32 @!p1 $0xFFFFFC00, s20  }
0x40: {  	s19 =	sadd.s32 @!p1 s19, s20;
	s20 =	sand.u32 @!p1 $0x300, s21  }
0x41: {  	s19 =	sor.u32 @!p1 s20, s19  }
0x42: {  	s19 =	sshrl.u32 @!p1 s19, $0x8  }
0x43: {  	s31 =	sadd.s32 $0xFFFFFFFF, s15;
	s20 =	smulhi.u32 @!p1 $0x2762763, s19  }
0x44: {  	s22 =	sxor.u32 @!p1 $0xFFFFFFFF, s15;
	s23 =	sand.u32 @!p1 $0x78, s12;
	s24 =	smul.u32 @!p1 $0xD00, s14  }
0x45: {  	s22 =	sshll.u32 @!p1 s22, $0xE;
	s21 =	sand.u32 @!p1 $0x80, s21;
	s20 =	smul.u32 @!p1 $0x68, s20  }
0x46: {  	s22 =	sand.u32 @!p1 $0x4000, s22;
	s21 =	sor.u32 @!p1 s23, s21;
	s23 =	sand.u32 @!p1 $0x7, s12  }
0x47: {  	s19 =	ssub.s32 @!p1 s19, s20;
	s20 =	sshrl.u32 @!p1 s21, $0x3;
	s21 =	sadd.s32 @!p1 s6, s24  }
0x48: {  	s19 =	sshll.u32 @!p1 s19, $0x5;
	s20 =	sadd.s32 @!p1 s20, s21;
	s21 =	sshll.u32 @!p1 s23, $0x12  }
0x49: {  	s19 =	sadd.s32 @!p1 s19, s20;
	s20 =	sor.u32 @!p1 $0x80, s21;
	s21 =	simm.s32 @!p1 $0x6800  }
0x4a: {  	[tilespmem:s22], [sflag:$0x1] =	stream.strided.gather @!p1 [hbm4b:s19+s20], $0x4000, s21, s20, $0x38;
	[tilespmem:$0x10100] =	vst v63  }
0x4b: {  	p1 =	sge.u32 s31, s5  }
.Ltmp2:
0x4c: {  	_ = 	snop;
	(pc) =	sbr.rel @p1 .LBB1_5-.Ltmp2, $1  }
0x4d: {  	_ =	sdelay $0x3  }
0x4e: {  	s19 =	simm.s32 $0x1  }
0x4f: {  	_ =	swait.ge [sflag:s4], $0x4000;
	s19 =	simm.s32 @!p0 $0x0  }
0x50: {  	[sflag:s4] =	ssyncset.done $0x0;
	s20 =	sshll.u32 s19, $0xE  }
0x51: {  	[sflag:s4] =	ssyncadd.s32 $0xFFFFC000;
	s20 =	sor.u32 $0x40, s20  }
0x52: {  	s19 =	smul.u32 $0x10200, s19;
	v0 =	vld [tilespmem:s20+$0x30]  }
0x53: {  	v1 =	vld [tilespmem:s20+$0xFFFFFFD0]  }
0x54: {  	s19 =	sshrl.u32 s19, $0x2;
	v5 =	vld [tilespmem:s20+$0xFFFFFFE0]  }
0x55: {  	v6 =	vld [tilespmem:s20+$0xFFFFFFF0];
	s22 =	sor.u32 $0x8000, s19  }
0x56: {  	s31 =	sand.u32 $0x1, s15;
	v4 =	vld [tilespmem:s20+$0x0];
	s21 =	sadd.s32 $0x0, s22  }
0x57: {  	v3 =	vld [tilespmem:s20+$0x10];
	s19 =	smul.u32 $0x10200, s31;
	[tilespmem:s21+$0x3870 ss:$0x81] =	vst.msk $0xffff, v0  }
0x58: {  	v2 =	vld [tilespmem:s20+$0x20];
	[tilespmem:s21+$0x810 ss:$0x81] =	vst.msk $0xffff, v1  }
0x59: {  	s19 =	sshrl.u32 s19, $0x2;
	v1 =	vld [tilespmem:s20+$0xFFFFFFC0];
	[tilespmem:s21+$0x1020 ss:$0x81] =	vst.msk $0xffff, v5;
	s20 =	sadd.s32 $0x80, s20  }
0x5a: {  	s23 =	simm.s32 $0x4;
	s24 =	simm.s32 $0x8;
	s19 =	sor.u32 $0x8000, s19;
	[tilespmem:s21+$0x1830 ss:$0x81] =	vst.msk $0xffff, v6;
	v0 =	vld [tilespmem:s20+$0x30]  }
.LBB1_3:
0x5b: {  	p1 =	sne.s32 s24, $0x1FC;
	v5 =	vld [tilespmem:s20+$0xFFFFFFD0];
	[tilespmem:s21+$0x2040 ss:$0x81] =	vst.msk $0xffff, v4  }
0x5c: {  	v6 =	vld [tilespmem:s20+$0xFFFFFFE0];
	[tilespmem:s21+$0x2850 ss:$0x81] =	vst.msk $0xffff, v3  }
0x5d: {  	s25 =	sshra.s32 s23, $0x2;
	s23 =	smov.u32 s24;
	v7 =	vld [tilespmem:s20+$0xFFFFFFF0];
	[tilespmem:s21+$0x3060 ss:$0x81] =	vst.msk $0xffff, v2  }
.Ltmp3:
0x5e: {  	v4 =	vld [tilespmem:s20+$0x0];
	[tilespmem:s21+$0x0 ss:$0x81] =	vst.msk $0xffff, v1;
	s21 =	sadd.s32 s25, s22;
	(pc) =	sbr.rel @p1 .LBB1_3-.Ltmp3, $4  }
0x5f: {  	v3 =	vld [tilespmem:s20+$0x10];
	[tilespmem:s21+$0x3870 ss:$0x81] =	vst.msk $0xffff, v0  }
0x60: {  	[tilespmem:s21+$0x810 ss:$0x81] =	vst.msk $0xffff, v5;
	v2 =	vld [tilespmem:s20+$0x20]  }
0x61: {  	v1 =	vld [tilespmem:s20+$0xFFFFFFC0];
	[tilespmem:s21+$0x1020 ss:$0x81] =	vst.msk $0xffff, v6;
	s20 =	sadd.s32 $0x80, s20  }
0x62: {  	s24 =	sadd.s32 $0x4, s24;
	v0 =	vld [tilespmem:s20+$0x30];
	[tilespmem:s21+$0x1830 ss:$0x81] =	vst.msk $0xffff, v7  }
.Ltmp4:
0x63: {  	_ = 	snop;
	(pc) =	sbr.rel .LBB1_4-.Ltmp4, $1  }
0x64: {  	_ =	sdelay $0x3  }
.LBB1_6:
0x65: {  	_ =	sfence.sel $0x180000  }
0x66: {  	s2 =	simm.s32 $0x1;
	[bflag:$0x0] =	sbarrier.arrive $0xFFFF  }
0x67: {  	s31 =	simm.s32 $0x2;
	[sflag:s2] =	ssyncpa.u1 $0x1  }
0x68: {  	[sflag:s31] =	ssyncpa.u1 $0x1  }
0x69: {  	p0 =	sne.s32 s0, $0x0;
	_ =	strace $0x9000004A  }
0x6a: {  	s0 =	sadd.s32 @!p0 $0x100000, s1;
	[bflag:$0x2] =	sbarrier.arrive $0xFFFF  }
0x6b: {  	[sflag:s0] =	ssyncadd.tile.s32 @!p0 $0x1;
	_ =	shalt  }
.Lfunc_end1:
_tile_overlayer_lowered:
.L_overlay_start_2:
0x6c: {  	(tag) =	ssettag $0x2  }
0x6d: {  	s0 =	rddreg [dreg:$0x0];
	s2 =	stileid.u32  }
0x6e: {  	s1 =	rddreg [dreg:$0x1];
	p0 =	sne.s32 s2, $0x0  }
0x6f: {  	s3 =	rddreg [dreg:$0x2];
	[bflag:$0x3] =	sbarrier.arrive $0xFFFF;
	s2 =	simm.s32 @!p0 $0x1C01  }
0x70: {  	[timem:s3], [sflag:s2] =	dma.local @!p0 [hbm:s0], s1  }
0x71: {  	s0 =	simm.s32 @!p0 $0x1  }
0x72: {  	_ =	swait.ge @!p0 [sflag:s0], s1  }
0x73: {  	s1 =	ssub.s32 @!p0 $0x0, s1;
	[sflag:s0] =	ssyncset.done @!p0 $0x0  }
0x74: {  	[sflag:s0] =	ssyncadd.s32 @!p0 s1  }
0x75: {  	[bflag:$0x3] =	sbarrier.arrive $0xFFFF  }
0x76: {  	_ =	shalt  }

</sc_bundles>
